<compile_context>
chip_gen: v7x
topology: tpu7x:2x2x1
jax: 0.10.2.dev20260603
libtpu: 0.0.44.dev20260713+nightly
codegen_flags: <defaults>
</compile_context>

<pallas_src>
import functools

import jax
import jax.numpy as jnp
from jax import lax
from jax.experimental import pallas as pl
from jax.experimental.pallas import tpu as pltpu
from jax.experimental.pallas import tpu_sc as plsc

N = 10000
E = 320000
D_IN = 128
D_HID = 128
D_OUT = 2
EPS = 1e-5

NC = 2
NS = 16
NW = NC * NS
EPW = E // NW
CH = 100
NCHUNK = EPW // CH
NPAD = 10240
RPT = NPAD // NS
DEGW = 16

_MESH = plsc.VectorSubcoreMesh(core_axis_name="c", subcore_axis_name="s")
_SC_PARAMS = pltpu.CompilerParams(use_tc_tiling_on_sc=False)


def _make_scatter_kernel(width):

    @functools.partial(
        pl.kernel,
        out_type=jax.ShapeDtypeStruct((NC * NPAD, width), jnp.float32),
        mesh=_MESH,
        compiler_params=_SC_PARAMS,
        scratch_types=[
            pltpu.VMEM((NCHUNK, CH), jnp.int32),
            pltpu.VMEM((NCHUNK, CH), jnp.int32),
            pltpu.VMEM((CH, width), jnp.float32),
            pltpu.VMEM((CH, width), jnp.float32),
            pltpu.VMEM_SHARED((NPAD, width), jnp.float32),
            pltpu.SemaphoreType.DMA,
            pltpu.SemaphoreType.DMA,
        ],
    )
    def scatter_kernel(g_hbm, src_hbm, dst_hbm, zeros_hbm, out_hbm,
                       srcv, dstv, rows0, rows1, acc, sem0, sem1):
        c = lax.axis_index("c")
        s = lax.axis_index("s")
        wid = s * NC + c
        r0 = s * RPT
        pltpu.sync_copy(zeros_hbm.at[pl.ds(r0, RPT)], acc.at[pl.ds(r0, RPT)])
        pltpu.sync_copy(src_hbm.at[wid], srcv)
        pltpu.sync_copy(dst_hbm.at[wid], dstv)
        plsc.subcore_barrier()

        pltpu.async_copy(g_hbm.at[srcv.at[0]], rows0, sem0)

        def pair(t, carry):
            j0 = 2 * t
            j1 = j0 + 1
            pltpu.async_copy(g_hbm.at[srcv.at[j1]], rows1, sem1)
            pltpu.make_async_copy(g_hbm.at[srcv.at[j0]], rows0, sem0).wait()
            pltpu.sync_copy(rows0, acc.at[dstv.at[j0]], add=True)

            @pl.when(j1 + 1 < NCHUNK)
            def _():
                pltpu.async_copy(g_hbm.at[srcv.at[j1 + 1]], rows0, sem0)

            pltpu.make_async_copy(g_hbm.at[srcv.at[j1]], rows1, sem1).wait()
            pltpu.sync_copy(rows1, acc.at[dstv.at[j1]], add=True)
            return carry

        lax.fori_loop(0, NCHUNK // 2, pair, 0)
        plsc.subcore_barrier()
        pltpu.sync_copy(acc.at[pl.ds(r0, RPT)],
                        out_hbm.at[pl.ds(c * NPAD + r0, RPT)])

    return scatter_kernel


_scatter128 = _make_scatter_kernel(D_HID)
_scatter16 = _make_scatter_kernel(DEGW)


@functools.partial(
    pl.kernel,
    out_type=jax.ShapeDtypeStruct((NC * NPAD, DEGW), jnp.float32),
    mesh=_MESH,
    compiler_params=_SC_PARAMS,
    scratch_types=[
        pltpu.VMEM((NCHUNK, CH), jnp.int32),
        pltpu.VMEM((CH, DEGW), jnp.float32),
        pltpu.VMEM_SHARED((NPAD, DEGW), jnp.float32),
    ],
)
def _deg_kernel(dst_hbm, ones_hbm, zeros_hbm, out_hbm, dstv, onesv, acc):
    c = lax.axis_index("c")
    s = lax.axis_index("s")
    wid = s * NC + c
    r0 = s * RPT
    pltpu.sync_copy(ones_hbm, onesv)
    pltpu.sync_copy(zeros_hbm.at[pl.ds(r0, RPT)], acc.at[pl.ds(r0, RPT)])
    pltpu.sync_copy(dst_hbm.at[wid], dstv)
    plsc.subcore_barrier()

    def chunk(i, carry):
        pltpu.sync_copy(onesv, acc.at[dstv.at[i]], add=True)
        return carry

    lax.fori_loop(0, NCHUNK, chunk, 0)
    plsc.subcore_barrier()
    pltpu.sync_copy(acc.at[pl.ds(r0, RPT)],
                    out_hbm.at[pl.ds(c * NPAD + r0, RPT)])


def _batch_norm(x, gamma, beta):
    mean = jnp.mean(x, axis=0)
    var = jnp.mean((x - mean) ** 2, axis=0)
    return gamma * (x - mean) * lax.rsqrt(var + EPS) + beta


def kernel(edge_index, u_S, W1, b1, gamma1, beta1, W2, b2, gamma2, beta2):
    src = edge_index[0].reshape(NW, NCHUNK, CH)
    dst = edge_index[1].reshape(NW, NCHUNK, CH)
    zeros128 = jnp.zeros((NPAD, D_HID), jnp.float32)
    zeros16 = jnp.zeros((NPAD, DEGW), jnp.float32)
    ones_chunk = jnp.ones((CH, DEGW), jnp.float32)

    degp = _deg_kernel(dst, ones_chunk, zeros16)
    deg = degp[:N, 0] + degp[NPAD:NPAD + N, 0] + 1.0
    dinv = lax.rsqrt(deg)

    h1 = u_S @ W1
    g1 = dinv[:, None] * h1
    p1 = _scatter128(g1, src, dst, zeros128)
    x1 = dinv[:, None] * (p1[:N] + p1[NPAD:NPAD + N] + g1) + b1
    s1 = jax.nn.relu(_batch_norm(x1, gamma1, beta1))

    h2 = s1 @ W2
    g2 = dinv[:, None] * h2
    g2p = jnp.concatenate(
        [g2, jnp.zeros((N, DEGW - D_OUT), jnp.float32)], axis=1)
    p2 = _scatter16(g2p, src, dst, zeros16)
    x2 = dinv[:, None] * (p2[:N, :D_OUT] + p2[NPAD:NPAD + N, :D_OUT] + g2) + b2
    s2 = _batch_norm(x2, gamma2, beta2)
    return (jax.nn.sigmoid(s2), jax.nn.softmax(s2, axis=1))

# --- scband reference (transcript-rebuilt; emitter-appended) ---
"""Pipeline reference for scband-s-decoder-12137577578919 (READ-ONLY COPY).

The authoritative reference and input builder live on the scoring server;
editing this copy changes nothing except your own understanding.
"""

import jax, jax.numpy as jnp
import numpy as np

N = 10000
E = 320000
D_IN = 128
D_HID = 128
D_OUT = 2
EPS = 1e-5


def gcn_conv(x, edge_index, W, b, n_nodes):
    # PyG GCNConv: h = x @ W; add self-loops; sym-normalized scatter-add; + bias
    src = edge_index[0]
    dst = edge_index[1]
    loop = jnp.arange(n_nodes, dtype=edge_index.dtype)
    src = jnp.concatenate([src, loop])
    dst = jnp.concatenate([dst, loop])
    deg = jnp.zeros((n_nodes,), dtype=x.dtype).at[dst].add(1.0)
    dinv = jnp.where(deg > 0, deg ** -0.5, 0.0)
    norm = dinv[src] * dinv[dst]
    h = x @ W
    msg = h[src] * norm[:, None]
    out = jnp.zeros((n_nodes, W.shape[1]), dtype=x.dtype).at[dst].add(msg)
    return out + b


def batch_norm(x, gamma, beta):
    # BatchNorm1d in training mode: biased batch statistics
    mean = jnp.mean(x, axis=0)
    var = jnp.var(x, axis=0)
    return gamma * (x - mean) / jnp.sqrt(var + EPS) + beta


def setup_inputs(seed: int = 0) -> dict:
    key = jax.random.key(seed)
    ks = jax.random.split(key, 10)
    edge_index = jax.random.randint(ks[0], (2, E), 0, N, dtype=jnp.int32)
    u_S = jax.random.normal(ks[1], (N, D_IN), dtype=jnp.float32)
    W1 = jax.random.normal(ks[2], (D_IN, D_HID), dtype=jnp.float32) / np.sqrt(D_IN)
    b1 = jnp.zeros((D_HID,), dtype=jnp.float32)
    gamma1 = jnp.ones((D_HID,), dtype=jnp.float32)
    beta1 = jnp.zeros((D_HID,), dtype=jnp.float32)
    W2 = jax.random.normal(ks[3], (D_HID, D_OUT), dtype=jnp.float32) / np.sqrt(D_HID)
    b2 = jnp.zeros((D_OUT,), dtype=jnp.float32)
    gamma2 = jnp.ones((D_OUT,), dtype=jnp.float32)
    beta2 = jnp.zeros((D_OUT,), dtype=jnp.float32)
    return {
        "edge_index": edge_index,
        "u_S": u_S,
        "W1": W1,
        "b1": b1,
        "gamma1": gamma1,
        "beta1": beta1,
        "W2": W2,
        "b2": b2,
        "gamma2": gamma2,
        "beta2": beta2,
    }


def reference(edge_index, u_S, W1, b1, gamma1, beta1, W2, b2, gamma2, beta2):
    S = gcn_conv(u_S, edge_index, W1, b1, N)
    S = batch_norm(S, gamma1, beta1)
    S = jax.nn.relu(S)
    S = gcn_conv(S, edge_index, W2, b2, N)
    S = batch_norm(S, gamma2, beta2)
    return (jax.nn.sigmoid(S), jax.nn.softmax(S, axis=1))

if __name__ == "__main__":
    import jax
    _d = setup_inputs()
    print(jax.jit(kernel)(*tuple(_d.values())))

</pallas_src>

<mosaic_0001>
#map = affine_map<(d0, d1) -> (0, 0)>
#map1 = affine_map<(d0, d1) -> (0, 0, 0)>
module attributes {stable_mosaic.version = 14 : i64} {
  func.func @scatter_kernel(%arg0: i32, %arg1: i32, %arg2: memref<10000x128xf32, #tpu.memory_space<hbm>>, %arg3: memref<32x100x100xi32, #tpu.memory_space<hbm>>, %arg4: memref<32x100x100xi32, #tpu.memory_space<hbm>>, %arg5: memref<10240x128xf32, #tpu.memory_space<hbm>>, %arg6: memref<20480x128xf32, #tpu.memory_space<hbm>>, %arg7: memref<100x100xi32, #tpu.memory_space<vmem>>, %arg8: memref<100x100xi32, #tpu.memory_space<vmem>>, %arg9: memref<100x128xf32, #tpu.memory_space<vmem>>, %arg10: memref<100x128xf32, #tpu.memory_space<vmem>>, %arg11: memref<10240x128xf32, #tpu.memory_space<vmem_shared>>, %arg12: memref<!tpu.dma_semaphore, #tpu.memory_space<semaphore_mem>>, %arg13: memref<!tpu.dma_semaphore, #tpu.memory_space<semaphore_mem>>) attributes {dimension_semantics = [#tpu.dimension_semantics<core_parallel>, #tpu.dimension_semantics<subcore_parallel>], iteration_bounds = array<i64: 2, 16>, scalar_prefetch = 0 : i64, scratch_operands = 7 : i64, tpu.core_type = #tpu.core_type<sc_vector_subcore>, window_params = [{transform_indices = #map}, {transform_indices = #map1}, {transform_indices = #map1}, {transform_indices = #map}, {transform_indices = #map}]} {
    %mul3A = arith.constant 2 : i32
    %mul3A_0 = arith.muli %arg1, %mul3A : i32
    %add3A = arith.addi %mul3A_0, %arg0 : i32
    %mul3A_1 = arith.constant 640 : i32
    %mul3A_2 = arith.muli %arg1, %mul3A_1 : i32
    "tpu.region"() ({
      %run_scoped3A = tpu.sem_alloc : memref<!tpu.dma_semaphore, #tpu.memory_space<semaphore_mem>>
      %dma_start3A_18 = arith.constant 0 : i32
      %dma_start3A_19 = tpu.memref_slice %arg11[%mul3A_2, %dma_start3A_18] : memref<10240x128xf32, #tpu.memory_space<vmem_shared>> -> memref<640x128xf32, #tpu.memory_space<vmem_shared>>
      %dma_start3A_20 = arith.constant 0 : i32
      %dma_start3A_21 = tpu.memref_slice %arg5[%mul3A_2, %dma_start3A_20] : memref<10240x128xf32, #tpu.memory_space<hbm>> -> memref<640x128xf32, #tpu.memory_space<hbm>>
      tpu.enqueue_dma source(%dma_start3A_21 : memref<640x128xf32, #tpu.memory_space<hbm>>) target(%dma_start3A_19 : memref<640x128xf32, #tpu.memory_space<vmem_shared>>) target_semaphore(%run_scoped3A : memref<!tpu.dma_semaphore, #tpu.memory_space<semaphore_mem>>)
      %dma_wait3A = arith.constant 0 : i32
      %dma_wait3A_22 = tpu.memref_slice %arg11[%mul3A_2, %dma_wait3A] : memref<10240x128xf32, #tpu.memory_space<vmem_shared>> -> memref<640x128xf32, #tpu.memory_space<vmem_shared>>
      %dma_wait3A_23 = arith.constant 0 : i32
      %dma_wait3A_24 = tpu.memref_slice %arg5[%mul3A_2, %dma_wait3A_23] : memref<10240x128xf32, #tpu.memory_space<hbm>> -> memref<640x128xf32, #tpu.memory_space<hbm>>
      tpu.wait_dma2 semaphore(%run_scoped3A : memref<!tpu.dma_semaphore, #tpu.memory_space<semaphore_mem>>) src(%dma_wait3A_24 : memref<640x128xf32, #tpu.memory_space<hbm>>) dst(%dma_wait3A_22 : memref<640x128xf32, #tpu.memory_space<vmem_shared>>)
      tpu.yield
    }) : () -> ()
    "tpu.region"() ({
      %run_scoped3A = tpu.sem_alloc : memref<!tpu.dma_semaphore, #tpu.memory_space<semaphore_mem>>
      %dma_start3A_18 = arith.constant 0 : i32
      %dma_start3A_19 = arith.constant 0 : i32
      %dma_start3A_20 = tpu.memref_slice %arg3[%add3A, %dma_start3A_18, %dma_start3A_19] : memref<32x100x100xi32, #tpu.memory_space<hbm>> -> memref<1x100x100xi32, #tpu.memory_space<hbm>>
      %dma_start3A_21 = tpu.memref_squeeze %dma_start3A_20 : memref<1x100x100xi32, #tpu.memory_space<hbm>> -> memref<100x100xi32, #tpu.memory_space<hbm>>
      %dma_start3A_22 = arith.constant 0 : i32
      %dma_start3A_23 = arith.constant 0 : i32
      %dma_start3A_24 = tpu.memref_slice %arg3[%add3A, %dma_start3A_22, %dma_start3A_23] : memref<32x100x100xi32, #tpu.memory_space<hbm>> -> memref<1x100x100xi32, #tpu.memory_space<hbm>>
      %dma_start3A_25 = tpu.memref_squeeze %dma_start3A_24 : memref<1x100x100xi32, #tpu.memory_space<hbm>> -> memref<100x100xi32, #tpu.memory_space<hbm>>
      tpu.enqueue_dma source(%dma_start3A_25 : memref<100x100xi32, #tpu.memory_space<hbm>>) target(%arg7 : memref<100x100xi32, #tpu.memory_space<vmem>>) target_semaphore(%run_scoped3A : memref<!tpu.dma_semaphore, #tpu.memory_space<semaphore_mem>>)
      %dma_wait3A = arith.constant 0 : i32
      %dma_wait3A_26 = arith.constant 0 : i32
      %dma_wait3A_27 = tpu.memref_slice %arg3[%add3A, %dma_wait3A, %dma_wait3A_26] : memref<32x100x100xi32, #tpu.memory_space<hbm>> -> memref<1x100x100xi32, #tpu.memory_space<hbm>>
      %dma_wait3A_28 = tpu.memref_squeeze %dma_wait3A_27 : memref<1x100x100xi32, #tpu.memory_space<hbm>> -> memref<100x100xi32, #tpu.memory_space<hbm>>
      %dma_wait3A_29 = arith.constant 0 : i32
      %dma_wait3A_30 = arith.constant 0 : i32
      %dma_wait3A_31 = tpu.memref_slice %arg3[%add3A, %dma_wait3A_29, %dma_wait3A_30] : memref<32x100x100xi32, #tpu.memory_space<hbm>> -> memref<1x100x100xi32, #tpu.memory_space<hbm>>
      %dma_wait3A_32 = tpu.memref_squeeze %dma_wait3A_31 : memref<1x100x100xi32, #tpu.memory_space<hbm>> -> memref<100x100xi32, #tpu.memory_space<hbm>>
      tpu.wait_dma2 semaphore(%run_scoped3A : memref<!tpu.dma_semaphore, #tpu.memory_space<semaphore_mem>>) src(%dma_wait3A_32 : memref<100x100xi32, #tpu.memory_space<hbm>>) dst(%arg7 : memref<100x100xi32, #tpu.memory_space<vmem>>)
      tpu.yield
    }) : () -> ()
    "tpu.region"() ({
      %run_scoped3A = tpu.sem_alloc : memref<!tpu.dma_semaphore, #tpu.memory_space<semaphore_mem>>
      %dma_start3A_18 = arith.constant 0 : i32
      %dma_start3A_19 = arith.constant 0 : i32
      %dma_start3A_20 = tpu.memref_slice %arg4[%add3A, %dma_start3A_18, %dma_start3A_19] : memref<32x100x100xi32, #tpu.memory_space<hbm>> -> memref<1x100x100xi32, #tpu.memory_space<hbm>>
      %dma_start3A_21 = tpu.memref_squeeze %dma_start3A_20 : memref<1x100x100xi32, #tpu.memory_space<hbm>> -> memref<100x100xi32, #tpu.memory_space<hbm>>
      %dma_start3A_22 = arith.constant 0 : i32
      %dma_start3A_23 = arith.constant 0 : i32
      %dma_start3A_24 = tpu.memref_slice %arg4[%add3A, %dma_start3A_22, %dma_start3A_23] : memref<32x100x100xi32, #tpu.memory_space<hbm>> -> memref<1x100x100xi32, #tpu.memory_space<hbm>>
      %dma_start3A_25 = tpu.memref_squeeze %dma_start3A_24 : memref<1x100x100xi32, #tpu.memory_space<hbm>> -> memref<100x100xi32, #tpu.memory_space<hbm>>
      tpu.enqueue_dma source(%dma_start3A_25 : memref<100x100xi32, #tpu.memory_space<hbm>>) target(%arg8 : memref<100x100xi32, #tpu.memory_space<vmem>>) target_semaphore(%run_scoped3A : memref<!tpu.dma_semaphore, #tpu.memory_space<semaphore_mem>>)
      %dma_wait3A = arith.constant 0 : i32
      %dma_wait3A_26 = arith.constant 0 : i32
      %dma_wait3A_27 = tpu.memref_slice %arg4[%add3A, %dma_wait3A, %dma_wait3A_26] : memref<32x100x100xi32, #tpu.memory_space<hbm>> -> memref<1x100x100xi32, #tpu.memory_space<hbm>>
      %dma_wait3A_28 = tpu.memref_squeeze %dma_wait3A_27 : memref<1x100x100xi32, #tpu.memory_space<hbm>> -> memref<100x100xi32, #tpu.memory_space<hbm>>
      %dma_wait3A_29 = arith.constant 0 : i32
      %dma_wait3A_30 = arith.constant 0 : i32
      %dma_wait3A_31 = tpu.memref_slice %arg4[%add3A, %dma_wait3A_29, %dma_wait3A_30] : memref<32x100x100xi32, #tpu.memory_space<hbm>> -> memref<1x100x100xi32, #tpu.memory_space<hbm>>
      %dma_wait3A_32 = tpu.memref_squeeze %dma_wait3A_31 : memref<1x100x100xi32, #tpu.memory_space<hbm>> -> memref<100x100xi32, #tpu.memory_space<hbm>>
      tpu.wait_dma2 semaphore(%run_scoped3A : memref<!tpu.dma_semaphore, #tpu.memory_space<semaphore_mem>>) src(%dma_wait3A_32 : memref<100x100xi32, #tpu.memory_space<hbm>>) dst(%arg8 : memref<100x100xi32, #tpu.memory_space<vmem>>)
      tpu.yield
    }) : () -> ()
    %barrier3A = arith.constant 0 : index
    tpu.barrier barrier_id(%barrier3A)
    %dma_start3A = arith.constant 0 : i32
    %dma_start3A_3 = arith.constant 0 : i32
    %dma_start3A_4 = tpu.memref_slice %arg7[%dma_start3A, %dma_start3A_3] : memref<100x100xi32, #tpu.memory_space<vmem>> -> memref<1x100xi32, #tpu.memory_space<vmem>>
    %dma_start3A_5 = tpu.memref_squeeze %dma_start3A_4 : memref<1x100xi32, #tpu.memory_space<vmem>> -> memref<100xi32, #tpu.memory_space<vmem>>
    %dma_start3A_6 = arith.constant 0 : i32
    %dma_start3A_7 = arith.constant 0 : i32
    %dma_start3A_8 = tpu.memref_slice %arg2[%dma_start3A_6, %dma_start3A_7] : memref<10000x128xf32, #tpu.memory_space<hbm>> -> memref<10000x128xf32, #tpu.memory_space<hbm>>
    tpu.enqueue_indirect_dma source(%dma_start3A_8 : memref<10000x128xf32, #tpu.memory_space<hbm>>) target(%arg9 : memref<100x128xf32, #tpu.memory_space<vmem>>) offsets(%dma_start3A_5 : memref<100xi32, #tpu.memory_space<vmem>>) semaphore(%arg12 : memref<!tpu.dma_semaphore, #tpu.memory_space<semaphore_mem>>)
    %scan3A = arith.constant 0 : i32
    %scan3A_9 = arith.constant 0 : i32
    %scan3A_10 = arith.constant 50 : i32
    %scan3A_11 = arith.addi %scan3A_9, %scan3A_10 : i32
    %scan3A_12 = arith.constant 1 : i32
    scf.for %scan3A_18 = %scan3A_9 to %scan3A_11 step %scan3A_12  : i32 {
      %mul3A_19 = arith.constant 2 : i32
      %mul3A_20 = arith.muli %mul3A_19, %scan3A_18 : i32
      %add3A_21 = arith.constant 1 : i32
      %add3A_22 = arith.addi %mul3A_20, %add3A_21 : i32
      %dma_start3A_23 = arith.constant 0 : i32
      %dma_start3A_24 = tpu.memref_slice %arg7[%add3A_22, %dma_start3A_23] : memref<100x100xi32, #tpu.memory_space<vmem>> -> memref<1x100xi32, #tpu.memory_space<vmem>>
      %dma_start3A_25 = tpu.memref_squeeze %dma_start3A_24 : memref<1x100xi32, #tpu.memory_space<vmem>> -> memref<100xi32, #tpu.memory_space<vmem>>
      %dma_start3A_26 = arith.constant 0 : i32
      %dma_start3A_27 = arith.constant 0 : i32
      %dma_start3A_28 = tpu.memref_slice %arg2[%dma_start3A_26, %dma_start3A_27] : memref<10000x128xf32, #tpu.memory_space<hbm>> -> memref<10000x128xf32, #tpu.memory_space<hbm>>
      tpu.enqueue_indirect_dma source(%dma_start3A_28 : memref<10000x128xf32, #tpu.memory_space<hbm>>) target(%arg10 : memref<100x128xf32, #tpu.memory_space<vmem>>) offsets(%dma_start3A_25 : memref<100xi32, #tpu.memory_space<vmem>>) semaphore(%arg13 : memref<!tpu.dma_semaphore, #tpu.memory_space<semaphore_mem>>)
      %dma_wait3A = arith.constant 0 : i32
      %dma_wait3A_29 = tpu.memref_slice %arg7[%mul3A_20, %dma_wait3A] : memref<100x100xi32, #tpu.memory_space<vmem>> -> memref<1x100xi32, #tpu.memory_space<vmem>>
      %dma_wait3A_30 = tpu.memref_squeeze %dma_wait3A_29 : memref<1x100xi32, #tpu.memory_space<vmem>> -> memref<100xi32, #tpu.memory_space<vmem>>
      %dma_wait3A_31 = arith.constant 0 : i32
      %dma_wait3A_32 = arith.constant 0 : i32
      %dma_wait3A_33 = tpu.memref_slice %arg2[%dma_wait3A_31, %dma_wait3A_32] : memref<10000x128xf32, #tpu.memory_space<hbm>> -> memref<10000x128xf32, #tpu.memory_space<hbm>>
      tpu.wait_indirect_dma semaphore(%arg12 : memref<!tpu.dma_semaphore, #tpu.memory_space<semaphore_mem>>) src(%dma_wait3A_33 : memref<10000x128xf32, #tpu.memory_space<hbm>>) dst(%arg9 : memref<100x128xf32, #tpu.memory_space<vmem>>)
      "tpu.region"() ({
        %run_scoped3A = tpu.sem_alloc : memref<!tpu.dma_semaphore, #tpu.memory_space<semaphore_mem>>
        %dma_start3A_44 = arith.constant 0 : i32
        %dma_start3A_45 = tpu.memref_slice %arg8[%mul3A_20, %dma_start3A_44] : memref<100x100xi32, #tpu.memory_space<vmem>> -> memref<1x100xi32, #tpu.memory_space<vmem>>
        %dma_start3A_46 = tpu.memref_squeeze %dma_start3A_45 : memref<1x100xi32, #tpu.memory_space<vmem>> -> memref<100xi32, #tpu.memory_space<vmem>>
        %dma_start3A_47 = arith.constant 0 : i32
        %dma_start3A_48 = arith.constant 0 : i32
        %dma_start3A_49 = tpu.memref_slice %arg11[%dma_start3A_47, %dma_start3A_48] : memref<10240x128xf32, #tpu.memory_space<vmem_shared>> -> memref<10240x128xf32, #tpu.memory_space<vmem_shared>>
        tpu.enqueue_indirect_dma source(%arg9 : memref<100x128xf32, #tpu.memory_space<vmem>>) target(%dma_start3A_49 : memref<10240x128xf32, #tpu.memory_space<vmem_shared>>) offsets(%dma_start3A_46 : memref<100xi32, #tpu.memory_space<vmem>>) semaphore(%run_scoped3A : memref<!tpu.dma_semaphore, #tpu.memory_space<semaphore_mem>>) {add = true}
        %dma_wait3A_50 = arith.constant 0 : i32
        %dma_wait3A_51 = tpu.memref_slice %arg8[%mul3A_20, %dma_wait3A_50] : memref<100x100xi32, #tpu.memory_space<vmem>> -> memref<1x100xi32, #tpu.memory_space<vmem>>
        %dma_wait3A_52 = tpu.memref_squeeze %dma_wait3A_51 : memref<1x100xi32, #tpu.memory_space<vmem>> -> memref<100xi32, #tpu.memory_space<vmem>>
        %dma_wait3A_53 = arith.constant 0 : i32
        %dma_wait3A_54 = arith.constant 0 : i32
        %dma_wait3A_55 = tpu.memref_slice %arg11[%dma_wait3A_53, %dma_wait3A_54] : memref<10240x128xf32, #tpu.memory_space<vmem_shared>> -> memref<10240x128xf32, #tpu.memory_space<vmem_shared>>
        tpu.wait_indirect_dma semaphore(%run_scoped3A : memref<!tpu.dma_semaphore, #tpu.memory_space<semaphore_mem>>) src(%arg9 : memref<100x128xf32, #tpu.memory_space<vmem>>) dst(%dma_wait3A_55 : memref<10240x128xf32, #tpu.memory_space<vmem_shared>>)
        tpu.yield
      }) : () -> ()
      %add3A_34 = arith.constant 1 : i32
      %add3A_35 = arith.addi %add3A_22, %add3A_34 : i32
      %lt3A = arith.constant 100 : i32
      %lt3A_36 = arith.cmpi slt, %add3A_35, %lt3A : i32
      %convert_element_type3A = arith.extui %lt3A_36 : i1 to i32
      %cond3A = arith.constant 0 : i32
      %cond3A_37 = arith.cmpi ne, %convert_element_type3A, %cond3A : i32
      scf.if %cond3A_37 {
        %add3A_44 = arith.constant 1 : i32
        %add3A_45 = arith.addi %add3A_22, %add3A_44 : i32
        %dma_start3A_46 = arith.constant 0 : i32
        %dma_start3A_47 = tpu.memref_slice %arg7[%add3A_45, %dma_start3A_46] : memref<100x100xi32, #tpu.memory_space<vmem>> -> memref<1x100xi32, #tpu.memory_space<vmem>>
        %dma_start3A_48 = tpu.memref_squeeze %dma_start3A_47 : memref<1x100xi32, #tpu.memory_space<vmem>> -> memref<100xi32, #tpu.memory_space<vmem>>
        %dma_start3A_49 = arith.constant 0 : i32
        %dma_start3A_50 = arith.constant 0 : i32
        %dma_start3A_51 = tpu.memref_slice %arg2[%dma_start3A_49, %dma_start3A_50] : memref<10000x128xf32, #tpu.memory_space<hbm>> -> memref<10000x128xf32, #tpu.memory_space<hbm>>
        tpu.enqueue_indirect_dma source(%dma_start3A_51 : memref<10000x128xf32, #tpu.memory_space<hbm>>) target(%arg9 : memref<100x128xf32, #tpu.memory_space<vmem>>) offsets(%dma_start3A_48 : memref<100xi32, #tpu.memory_space<vmem>>) semaphore(%arg12 : memref<!tpu.dma_semaphore, #tpu.memory_space<semaphore_mem>>)
      } else {
      }
      %dma_wait3A_38 = arith.constant 0 : i32
      %dma_wait3A_39 = tpu.memref_slice %arg7[%add3A_22, %dma_wait3A_38] : memref<100x100xi32, #tpu.memory_space<vmem>> -> memref<1x100xi32, #tpu.memory_space<vmem>>
      %dma_wait3A_40 = tpu.memref_squeeze %dma_wait3A_39 : memref<1x100xi32, #tpu.memory_space<vmem>> -> memref<100xi32, #tpu.memory_space<vmem>>
      %dma_wait3A_41 = arith.constant 0 : i32
      %dma_wait3A_42 = arith.constant 0 : i32
      %dma_wait3A_43 = tpu.memref_slice %arg2[%dma_wait3A_41, %dma_wait3A_42] : memref<10000x128xf32, #tpu.memory_space<hbm>> -> memref<10000x128xf32, #tpu.memory_space<hbm>>
      tpu.wait_indirect_dma semaphore(%arg13 : memref<!tpu.dma_semaphore, #tpu.memory_space<semaphore_mem>>) src(%dma_wait3A_43 : memref<10000x128xf32, #tpu.memory_space<hbm>>) dst(%arg10 : memref<100x128xf32, #tpu.memory_space<vmem>>)
      "tpu.region"() ({
        %run_scoped3A = tpu.sem_alloc : memref<!tpu.dma_semaphore, #tpu.memory_space<semaphore_mem>>
        %dma_start3A_44 = arith.constant 0 : i32
        %dma_start3A_45 = tpu.memref_slice %arg8[%add3A_22, %dma_start3A_44] : memref<100x100xi32, #tpu.memory_space<vmem>> -> memref<1x100xi32, #tpu.memory_space<vmem>>
        %dma_start3A_46 = tpu.memref_squeeze %dma_start3A_45 : memref<1x100xi32, #tpu.memory_space<vmem>> -> memref<100xi32, #tpu.memory_space<vmem>>
        %dma_start3A_47 = arith.constant 0 : i32
        %dma_start3A_48 = arith.constant 0 : i32
        %dma_start3A_49 = tpu.memref_slice %arg11[%dma_start3A_47, %dma_start3A_48] : memref<10240x128xf32, #tpu.memory_space<vmem_shared>> -> memref<10240x128xf32, #tpu.memory_space<vmem_shared>>
        tpu.enqueue_indirect_dma source(%arg10 : memref<100x128xf32, #tpu.memory_space<vmem>>) target(%dma_start3A_49 : memref<10240x128xf32, #tpu.memory_space<vmem_shared>>) offsets(%dma_start3A_46 : memref<100xi32, #tpu.memory_space<vmem>>) semaphore(%run_scoped3A : memref<!tpu.dma_semaphore, #tpu.memory_space<semaphore_mem>>) {add = true}
        %dma_wait3A_50 = arith.constant 0 : i32
        %dma_wait3A_51 = tpu.memref_slice %arg8[%add3A_22, %dma_wait3A_50] : memref<100x100xi32, #tpu.memory_space<vmem>> -> memref<1x100xi32, #tpu.memory_space<vmem>>
        %dma_wait3A_52 = tpu.memref_squeeze %dma_wait3A_51 : memref<1x100xi32, #tpu.memory_space<vmem>> -> memref<100xi32, #tpu.memory_space<vmem>>
        %dma_wait3A_53 = arith.constant 0 : i32
        %dma_wait3A_54 = arith.constant 0 : i32
        %dma_wait3A_55 = tpu.memref_slice %arg11[%dma_wait3A_53, %dma_wait3A_54] : memref<10240x128xf32, #tpu.memory_space<vmem_shared>> -> memref<10240x128xf32, #tpu.memory_space<vmem_shared>>
        tpu.wait_indirect_dma semaphore(%run_scoped3A : memref<!tpu.dma_semaphore, #tpu.memory_space<semaphore_mem>>) src(%arg10 : memref<100x128xf32, #tpu.memory_space<vmem>>) dst(%dma_wait3A_55 : memref<10240x128xf32, #tpu.memory_space<vmem_shared>>)
        tpu.yield
      }) : () -> ()
    }
    %scan3A_13 = arith.constant 50 : i32
    %barrier3A_14 = arith.constant 0 : index
    tpu.barrier barrier_id(%barrier3A_14)
    %mul3A_15 = arith.constant 10240 : i32
    %mul3A_16 = arith.muli %arg0, %mul3A_15 : i32
    %add3A_17 = arith.addi %mul3A_16, %mul3A_2 : i32
    "tpu.region"() ({
      %run_scoped3A = tpu.sem_alloc : memref<!tpu.dma_semaphore, #tpu.memory_space<semaphore_mem>>
      %dma_start3A_18 = arith.constant 0 : i32
      %dma_start3A_19 = tpu.memref_slice %arg6[%add3A_17, %dma_start3A_18] : memref<20480x128xf32, #tpu.memory_space<hbm>> -> memref<640x128xf32, #tpu.memory_space<hbm>>
      %dma_start3A_20 = arith.constant 0 : i32
      %dma_start3A_21 = tpu.memref_slice %arg11[%mul3A_2, %dma_start3A_20] : memref<10240x128xf32, #tpu.memory_space<vmem_shared>> -> memref<640x128xf32, #tpu.memory_space<vmem_shared>>
      tpu.enqueue_dma source(%dma_start3A_21 : memref<640x128xf32, #tpu.memory_space<vmem_shared>>) target(%dma_start3A_19 : memref<640x128xf32, #tpu.memory_space<hbm>>) target_semaphore(%run_scoped3A : memref<!tpu.dma_semaphore, #tpu.memory_space<semaphore_mem>>)
      %dma_wait3A = arith.constant 0 : i32
      %dma_wait3A_22 = tpu.memref_slice %arg6[%add3A_17, %dma_wait3A] : memref<20480x128xf32, #tpu.memory_space<hbm>> -> memref<640x128xf32, #tpu.memory_space<hbm>>
      %dma_wait3A_23 = arith.constant 0 : i32
      %dma_wait3A_24 = tpu.memref_slice %arg11[%mul3A_2, %dma_wait3A_23] : memref<10240x128xf32, #tpu.memory_space<vmem_shared>> -> memref<640x128xf32, #tpu.memory_space<vmem_shared>>
      tpu.wait_dma2 semaphore(%run_scoped3A : memref<!tpu.dma_semaphore, #tpu.memory_space<semaphore_mem>>) src(%dma_wait3A_24 : memref<640x128xf32, #tpu.memory_space<vmem_shared>>) dst(%dma_wait3A_22 : memref<640x128xf32, #tpu.memory_space<hbm>>)
      tpu.yield
    }) : () -> ()
    return
  }
}

#map = affine_map<(d0, d1) -> (0, 0, 0)>
#map1 = affine_map<(d0, d1) -> (0, 0)>
module attributes {stable_mosaic.version = 14 : i64} {
  func.func @_deg_kernel(%arg0: i32, %arg1: i32, %arg2: memref<32x100x100xi32, #tpu.memory_space<hbm>>, %arg3: memref<100x16xf32, #tpu.memory_space<hbm>>, %arg4: memref<10240x16xf32, #tpu.memory_space<hbm>>, %arg5: memref<20480x16xf32, #tpu.memory_space<hbm>>, %arg6: memref<100x100xi32, #tpu.memory_space<vmem>>, %arg7: memref<100x16xf32, #tpu.memory_space<vmem>>, %arg8: memref<10240x16xf32, #tpu.memory_space<vmem_shared>>) attributes {dimension_semantics = [#tpu.dimension_semantics<core_parallel>, #tpu.dimension_semantics<subcore_parallel>], iteration_bounds = array<i64: 2, 16>, scalar_prefetch = 0 : i64, scratch_operands = 3 : i64, tpu.core_type = #tpu.core_type<sc_vector_subcore>, window_params = [{transform_indices = #map}, {transform_indices = #map1}, {transform_indices = #map1}, {transform_indices = #map1}]} {
    %mul3A = arith.constant 2 : i32
    %mul3A_0 = arith.muli %arg1, %mul3A : i32
    %add3A = arith.addi %mul3A_0, %arg0 : i32
    %mul3A_1 = arith.constant 640 : i32
    %mul3A_2 = arith.muli %arg1, %mul3A_1 : i32
    "tpu.region"() ({
      %run_scoped3A = tpu.sem_alloc : memref<!tpu.dma_semaphore, #tpu.memory_space<semaphore_mem>>
      tpu.enqueue_dma source(%arg3 : memref<100x16xf32, #tpu.memory_space<hbm>>) target(%arg7 : memref<100x16xf32, #tpu.memory_space<vmem>>) target_semaphore(%run_scoped3A : memref<!tpu.dma_semaphore, #tpu.memory_space<semaphore_mem>>)
      tpu.wait_dma2 semaphore(%run_scoped3A : memref<!tpu.dma_semaphore, #tpu.memory_space<semaphore_mem>>) src(%arg3 : memref<100x16xf32, #tpu.memory_space<hbm>>) dst(%arg7 : memref<100x16xf32, #tpu.memory_space<vmem>>)
      tpu.yield
    }) : () -> ()
    "tpu.region"() ({
      %run_scoped3A = tpu.sem_alloc : memref<!tpu.dma_semaphore, #tpu.memory_space<semaphore_mem>>
      %dma_start3A = arith.constant 0 : i32
      %dma_start3A_12 = tpu.memref_slice %arg8[%mul3A_2, %dma_start3A] : memref<10240x16xf32, #tpu.memory_space<vmem_shared>> -> memref<640x16xf32, #tpu.memory_space<vmem_shared>>
      %dma_start3A_13 = arith.constant 0 : i32
      %dma_start3A_14 = tpu.memref_slice %arg4[%mul3A_2, %dma_start3A_13] : memref<10240x16xf32, #tpu.memory_space<hbm>> -> memref<640x16xf32, #tpu.memory_space<hbm>>
      tpu.enqueue_dma source(%dma_start3A_14 : memref<640x16xf32, #tpu.memory_space<hbm>>) target(%dma_start3A_12 : memref<640x16xf32, #tpu.memory_space<vmem_shared>>) target_semaphore(%run_scoped3A : memref<!tpu.dma_semaphore, #tpu.memory_space<semaphore_mem>>)
      %dma_wait3A = arith.constant 0 : i32
      %dma_wait3A_15 = tpu.memref_slice %arg8[%mul3A_2, %dma_wait3A] : memref<10240x16xf32, #tpu.memory_space<vmem_shared>> -> memref<640x16xf32, #tpu.memory_space<vmem_shared>>
      %dma_wait3A_16 = arith.constant 0 : i32
      %dma_wait3A_17 = tpu.memref_slice %arg4[%mul3A_2, %dma_wait3A_16] : memref<10240x16xf32, #tpu.memory_space<hbm>> -> memref<640x16xf32, #tpu.memory_space<hbm>>
      tpu.wait_dma2 semaphore(%run_scoped3A : memref<!tpu.dma_semaphore, #tpu.memory_space<semaphore_mem>>) src(%dma_wait3A_17 : memref<640x16xf32, #tpu.memory_space<hbm>>) dst(%dma_wait3A_15 : memref<640x16xf32, #tpu.memory_space<vmem_shared>>)
      tpu.yield
    }) : () -> ()
    "tpu.region"() ({
      %run_scoped3A = tpu.sem_alloc : memref<!tpu.dma_semaphore, #tpu.memory_space<semaphore_mem>>
      %dma_start3A = arith.constant 0 : i32
      %dma_start3A_12 = arith.constant 0 : i32
      %dma_start3A_13 = tpu.memref_slice %arg2[%add3A, %dma_start3A, %dma_start3A_12] : memref<32x100x100xi32, #tpu.memory_space<hbm>> -> memref<1x100x100xi32, #tpu.memory_space<hbm>>
      %dma_start3A_14 = tpu.memref_squeeze %dma_start3A_13 : memref<1x100x100xi32, #tpu.memory_space<hbm>> -> memref<100x100xi32, #tpu.memory_space<hbm>>
      %dma_start3A_15 = arith.constant 0 : i32
      %dma_start3A_16 = arith.constant 0 : i32
      %dma_start3A_17 = tpu.memref_slice %arg2[%add3A, %dma_start3A_15, %dma_start3A_16] : memref<32x100x100xi32, #tpu.memory_space<hbm>> -> memref<1x100x100xi32, #tpu.memory_space<hbm>>
      %dma_start3A_18 = tpu.memref_squeeze %dma_start3A_17 : memref<1x100x100xi32, #tpu.memory_space<hbm>> -> memref<100x100xi32, #tpu.memory_space<hbm>>
      tpu.enqueue_dma source(%dma_start3A_18 : memref<100x100xi32, #tpu.memory_space<hbm>>) target(%arg6 : memref<100x100xi32, #tpu.memory_space<vmem>>) target_semaphore(%run_scoped3A : memref<!tpu.dma_semaphore, #tpu.memory_space<semaphore_mem>>)
      %dma_wait3A = arith.constant 0 : i32
      %dma_wait3A_19 = arith.constant 0 : i32
      %dma_wait3A_20 = tpu.memref_slice %arg2[%add3A, %dma_wait3A, %dma_wait3A_19] : memref<32x100x100xi32, #tpu.memory_space<hbm>> -> memref<1x100x100xi32, #tpu.memory_space<hbm>>
      %dma_wait3A_21 = tpu.memref_squeeze %dma_wait3A_20 : memref<1x100x100xi32, #tpu.memory_space<hbm>> -> memref<100x100xi32, #tpu.memory_space<hbm>>
      %dma_wait3A_22 = arith.constant 0 : i32
      %dma_wait3A_23 = arith.constant 0 : i32
      %dma_wait3A_24 = tpu.memref_slice %arg2[%add3A, %dma_wait3A_22, %dma_wait3A_23] : memref<32x100x100xi32, #tpu.memory_space<hbm>> -> memref<1x100x100xi32, #tpu.memory_space<hbm>>
      %dma_wait3A_25 = tpu.memref_squeeze %dma_wait3A_24 : memref<1x100x100xi32, #tpu.memory_space<hbm>> -> memref<100x100xi32, #tpu.memory_space<hbm>>
      tpu.wait_dma2 semaphore(%run_scoped3A : memref<!tpu.dma_semaphore, #tpu.memory_space<semaphore_mem>>) src(%dma_wait3A_25 : memref<100x100xi32, #tpu.memory_space<hbm>>) dst(%arg6 : memref<100x100xi32, #tpu.memory_space<vmem>>)
      tpu.yield
    }) : () -> ()
    %barrier3A = arith.constant 0 : index
    tpu.barrier barrier_id(%barrier3A)
    %scan3A = arith.constant 0 : i32
    %scan3A_3 = arith.constant 0 : i32
    %scan3A_4 = arith.constant 100 : i32
    %scan3A_5 = arith.addi %scan3A_3, %scan3A_4 : i32
    %scan3A_6 = arith.constant 1 : i32
    scf.for %scan3A_12 = %scan3A_3 to %scan3A_5 step %scan3A_6  : i32 {
      "tpu.region"() ({
        %run_scoped3A = tpu.sem_alloc : memref<!tpu.dma_semaphore, #tpu.memory_space<semaphore_mem>>
        %dma_start3A = arith.constant 0 : i32
        %dma_start3A_13 = tpu.memref_slice %arg6[%scan3A_12, %dma_start3A] : memref<100x100xi32, #tpu.memory_space<vmem>> -> memref<1x100xi32, #tpu.memory_space<vmem>>
        %dma_start3A_14 = tpu.memref_squeeze %dma_start3A_13 : memref<1x100xi32, #tpu.memory_space<vmem>> -> memref<100xi32, #tpu.memory_space<vmem>>
        %dma_start3A_15 = arith.constant 0 : i32
        %dma_start3A_16 = arith.constant 0 : i32
        %dma_start3A_17 = tpu.memref_slice %arg8[%dma_start3A_15, %dma_start3A_16] : memref<10240x16xf32, #tpu.memory_space<vmem_shared>> -> memref<10240x16xf32, #tpu.memory_space<vmem_shared>>
        tpu.enqueue_indirect_dma source(%arg7 : memref<100x16xf32, #tpu.memory_space<vmem>>) target(%dma_start3A_17 : memref<10240x16xf32, #tpu.memory_space<vmem_shared>>) offsets(%dma_start3A_14 : memref<100xi32, #tpu.memory_space<vmem>>) semaphore(%run_scoped3A : memref<!tpu.dma_semaphore, #tpu.memory_space<semaphore_mem>>) {add = true}
        %dma_wait3A = arith.constant 0 : i32
        %dma_wait3A_18 = tpu.memref_slice %arg6[%scan3A_12, %dma_wait3A] : memref<100x100xi32, #tpu.memory_space<vmem>> -> memref<1x100xi32, #tpu.memory_space<vmem>>
        %dma_wait3A_19 = tpu.memref_squeeze %dma_wait3A_18 : memref<1x100xi32, #tpu.memory_space<vmem>> -> memref<100xi32, #tpu.memory_space<vmem>>
        %dma_wait3A_20 = arith.constant 0 : i32
        %dma_wait3A_21 = arith.constant 0 : i32
        %dma_wait3A_22 = tpu.memref_slice %arg8[%dma_wait3A_20, %dma_wait3A_21] : memref<10240x16xf32, #tpu.memory_space<vmem_shared>> -> memref<10240x16xf32, #tpu.memory_space<vmem_shared>>
        tpu.wait_indirect_dma semaphore(%run_scoped3A : memref<!tpu.dma_semaphore, #tpu.memory_space<semaphore_mem>>) src(%arg7 : memref<100x16xf32, #tpu.memory_space<vmem>>) dst(%dma_wait3A_22 : memref<10240x16xf32, #tpu.memory_space<vmem_shared>>)
        tpu.yield
      }) : () -> ()
    }
    %scan3A_7 = arith.constant 100 : i32
    %barrier3A_8 = arith.constant 0 : index
    tpu.barrier barrier_id(%barrier3A_8)
    %mul3A_9 = arith.constant 10240 : i32
    %mul3A_10 = arith.muli %arg0, %mul3A_9 : i32
    %add3A_11 = arith.addi %mul3A_10, %mul3A_2 : i32
    "tpu.region"() ({
      %run_scoped3A = tpu.sem_alloc : memref<!tpu.dma_semaphore, #tpu.memory_space<semaphore_mem>>
      %dma_start3A = arith.constant 0 : i32
      %dma_start3A_12 = tpu.memref_slice %arg5[%add3A_11, %dma_start3A] : memref<20480x16xf32, #tpu.memory_space<hbm>> -> memref<640x16xf32, #tpu.memory_space<hbm>>
      %dma_start3A_13 = arith.constant 0 : i32
      %dma_start3A_14 = tpu.memref_slice %arg8[%mul3A_2, %dma_start3A_13] : memref<10240x16xf32, #tpu.memory_space<vmem_shared>> -> memref<640x16xf32, #tpu.memory_space<vmem_shared>>
      tpu.enqueue_dma source(%dma_start3A_14 : memref<640x16xf32, #tpu.memory_space<vmem_shared>>) target(%dma_start3A_12 : memref<640x16xf32, #tpu.memory_space<hbm>>) target_semaphore(%run_scoped3A : memref<!tpu.dma_semaphore, #tpu.memory_space<semaphore_mem>>)
      %dma_wait3A = arith.constant 0 : i32
      %dma_wait3A_15 = tpu.memref_slice %arg5[%add3A_11, %dma_wait3A] : memref<20480x16xf32, #tpu.memory_space<hbm>> -> memref<640x16xf32, #tpu.memory_space<hbm>>
      %dma_wait3A_16 = arith.constant 0 : i32
      %dma_wait3A_17 = tpu.memref_slice %arg8[%mul3A_2, %dma_wait3A_16] : memref<10240x16xf32, #tpu.memory_space<vmem_shared>> -> memref<640x16xf32, #tpu.memory_space<vmem_shared>>
      tpu.wait_dma2 semaphore(%run_scoped3A : memref<!tpu.dma_semaphore, #tpu.memory_space<semaphore_mem>>) src(%dma_wait3A_17 : memref<640x16xf32, #tpu.memory_space<vmem_shared>>) dst(%dma_wait3A_15 : memref<640x16xf32, #tpu.memory_space<hbm>>)
      tpu.yield
    }) : () -> ()
    return
  }
}

#map = affine_map<(d0, d1) -> (0, 0)>
#map1 = affine_map<(d0, d1) -> (0, 0, 0)>
module attributes {stable_mosaic.version = 14 : i64} {
  func.func @scatter_kernel(%arg0: i32, %arg1: i32, %arg2: memref<10000x16xf32, #tpu.memory_space<hbm>>, %arg3: memref<32x100x100xi32, #tpu.memory_space<hbm>>, %arg4: memref<32x100x100xi32, #tpu.memory_space<hbm>>, %arg5: memref<10240x16xf32, #tpu.memory_space<hbm>>, %arg6: memref<20480x16xf32, #tpu.memory_space<hbm>>, %arg7: memref<100x100xi32, #tpu.memory_space<vmem>>, %arg8: memref<100x100xi32, #tpu.memory_space<vmem>>, %arg9: memref<100x16xf32, #tpu.memory_space<vmem>>, %arg10: memref<100x16xf32, #tpu.memory_space<vmem>>, %arg11: memref<10240x16xf32, #tpu.memory_space<vmem_shared>>, %arg12: memref<!tpu.dma_semaphore, #tpu.memory_space<semaphore_mem>>, %arg13: memref<!tpu.dma_semaphore, #tpu.memory_space<semaphore_mem>>) attributes {dimension_semantics = [#tpu.dimension_semantics<core_parallel>, #tpu.dimension_semantics<subcore_parallel>], iteration_bounds = array<i64: 2, 16>, scalar_prefetch = 0 : i64, scratch_operands = 7 : i64, tpu.core_type = #tpu.core_type<sc_vector_subcore>, window_params = [{transform_indices = #map}, {transform_indices = #map1}, {transform_indices = #map1}, {transform_indices = #map}, {transform_indices = #map}]} {
    %mul3A = arith.constant 2 : i32
    %mul3A_0 = arith.muli %arg1, %mul3A : i32
    %add3A = arith.addi %mul3A_0, %arg0 : i32
    %mul3A_1 = arith.constant 640 : i32
    %mul3A_2 = arith.muli %arg1, %mul3A_1 : i32
    "tpu.region"() ({
      %run_scoped3A = tpu.sem_alloc : memref<!tpu.dma_semaphore, #tpu.memory_space<semaphore_mem>>
      %dma_start3A_18 = arith.constant 0 : i32
      %dma_start3A_19 = tpu.memref_slice %arg11[%mul3A_2, %dma_start3A_18] : memref<10240x16xf32, #tpu.memory_space<vmem_shared>> -> memref<640x16xf32, #tpu.memory_space<vmem_shared>>
      %dma_start3A_20 = arith.constant 0 : i32
      %dma_start3A_21 = tpu.memref_slice %arg5[%mul3A_2, %dma_start3A_20] : memref<10240x16xf32, #tpu.memory_space<hbm>> -> memref<640x16xf32, #tpu.memory_space<hbm>>
      tpu.enqueue_dma source(%dma_start3A_21 : memref<640x16xf32, #tpu.memory_space<hbm>>) target(%dma_start3A_19 : memref<640x16xf32, #tpu.memory_space<vmem_shared>>) target_semaphore(%run_scoped3A : memref<!tpu.dma_semaphore, #tpu.memory_space<semaphore_mem>>)
      %dma_wait3A = arith.constant 0 : i32
      %dma_wait3A_22 = tpu.memref_slice %arg11[%mul3A_2, %dma_wait3A] : memref<10240x16xf32, #tpu.memory_space<vmem_shared>> -> memref<640x16xf32, #tpu.memory_space<vmem_shared>>
      %dma_wait3A_23 = arith.constant 0 : i32
      %dma_wait3A_24 = tpu.memref_slice %arg5[%mul3A_2, %dma_wait3A_23] : memref<10240x16xf32, #tpu.memory_space<hbm>> -> memref<640x16xf32, #tpu.memory_space<hbm>>
      tpu.wait_dma2 semaphore(%run_scoped3A : memref<!tpu.dma_semaphore, #tpu.memory_space<semaphore_mem>>) src(%dma_wait3A_24 : memref<640x16xf32, #tpu.memory_space<hbm>>) dst(%dma_wait3A_22 : memref<640x16xf32, #tpu.memory_space<vmem_shared>>)
      tpu.yield
    }) : () -> ()
    "tpu.region"() ({
      %run_scoped3A = tpu.sem_alloc : memref<!tpu.dma_semaphore, #tpu.memory_space<semaphore_mem>>
      %dma_start3A_18 = arith.constant 0 : i32
      %dma_start3A_19 = arith.constant 0 : i32
      %dma_start3A_20 = tpu.memref_slice %arg3[%add3A, %dma_start3A_18, %dma_start3A_19] : memref<32x100x100xi32, #tpu.memory_space<hbm>> -> memref<1x100x100xi32, #tpu.memory_space<hbm>>
      %dma_start3A_21 = tpu.memref_squeeze %dma_start3A_20 : memref<1x100x100xi32, #tpu.memory_space<hbm>> -> memref<100x100xi32, #tpu.memory_space<hbm>>
      %dma_start3A_22 = arith.constant 0 : i32
      %dma_start3A_23 = arith.constant 0 : i32
      %dma_start3A_24 = tpu.memref_slice %arg3[%add3A, %dma_start3A_22, %dma_start3A_23] : memref<32x100x100xi32, #tpu.memory_space<hbm>> -> memref<1x100x100xi32, #tpu.memory_space<hbm>>
      %dma_start3A_25 = tpu.memref_squeeze %dma_start3A_24 : memref<1x100x100xi32, #tpu.memory_space<hbm>> -> memref<100x100xi32, #tpu.memory_space<hbm>>
      tpu.enqueue_dma source(%dma_start3A_25 : memref<100x100xi32, #tpu.memory_space<hbm>>) target(%arg7 : memref<100x100xi32, #tpu.memory_space<vmem>>) target_semaphore(%run_scoped3A : memref<!tpu.dma_semaphore, #tpu.memory_space<semaphore_mem>>)
      %dma_wait3A = arith.constant 0 : i32
      %dma_wait3A_26 = arith.constant 0 : i32
      %dma_wait3A_27 = tpu.memref_slice %arg3[%add3A, %dma_wait3A, %dma_wait3A_26] : memref<32x100x100xi32, #tpu.memory_space<hbm>> -> memref<1x100x100xi32, #tpu.memory_space<hbm>>
      %dma_wait3A_28 = tpu.memref_squeeze %dma_wait3A_27 : memref<1x100x100xi32, #tpu.memory_space<hbm>> -> memref<100x100xi32, #tpu.memory_space<hbm>>
      %dma_wait3A_29 = arith.constant 0 : i32
      %dma_wait3A_30 = arith.constant 0 : i32
      %dma_wait3A_31 = tpu.memref_slice %arg3[%add3A, %dma_wait3A_29, %dma_wait3A_30] : memref<32x100x100xi32, #tpu.memory_space<hbm>> -> memref<1x100x100xi32, #tpu.memory_space<hbm>>
      %dma_wait3A_32 = tpu.memref_squeeze %dma_wait3A_31 : memref<1x100x100xi32, #tpu.memory_space<hbm>> -> memref<100x100xi32, #tpu.memory_space<hbm>>
      tpu.wait_dma2 semaphore(%run_scoped3A : memref<!tpu.dma_semaphore, #tpu.memory_space<semaphore_mem>>) src(%dma_wait3A_32 : memref<100x100xi32, #tpu.memory_space<hbm>>) dst(%arg7 : memref<100x100xi32, #tpu.memory_space<vmem>>)
      tpu.yield
    }) : () -> ()
    "tpu.region"() ({
      %run_scoped3A = tpu.sem_alloc : memref<!tpu.dma_semaphore, #tpu.memory_space<semaphore_mem>>
      %dma_start3A_18 = arith.constant 0 : i32
      %dma_start3A_19 = arith.constant 0 : i32
      %dma_start3A_20 = tpu.memref_slice %arg4[%add3A, %dma_start3A_18, %dma_start3A_19] : memref<32x100x100xi32, #tpu.memory_space<hbm>> -> memref<1x100x100xi32, #tpu.memory_space<hbm>>
      %dma_start3A_21 = tpu.memref_squeeze %dma_start3A_20 : memref<1x100x100xi32, #tpu.memory_space<hbm>> -> memref<100x100xi32, #tpu.memory_space<hbm>>
      %dma_start3A_22 = arith.constant 0 : i32
      %dma_start3A_23 = arith.constant 0 : i32
      %dma_start3A_24 = tpu.memref_slice %arg4[%add3A, %dma_start3A_22, %dma_start3A_23] : memref<32x100x100xi32, #tpu.memory_space<hbm>> -> memref<1x100x100xi32, #tpu.memory_space<hbm>>
      %dma_start3A_25 = tpu.memref_squeeze %dma_start3A_24 : memref<1x100x100xi32, #tpu.memory_space<hbm>> -> memref<100x100xi32, #tpu.memory_space<hbm>>
      tpu.enqueue_dma source(%dma_start3A_25 : memref<100x100xi32, #tpu.memory_space<hbm>>) target(%arg8 : memref<100x100xi32, #tpu.memory_space<vmem>>) target_semaphore(%run_scoped3A : memref<!tpu.dma_semaphore, #tpu.memory_space<semaphore_mem>>)
      %dma_wait3A = arith.constant 0 : i32
      %dma_wait3A_26 = arith.constant 0 : i32
      %dma_wait3A_27 = tpu.memref_slice %arg4[%add3A, %dma_wait3A, %dma_wait3A_26] : memref<32x100x100xi32, #tpu.memory_space<hbm>> -> memref<1x100x100xi32, #tpu.memory_space<hbm>>
      %dma_wait3A_28 = tpu.memref_squeeze %dma_wait3A_27 : memref<1x100x100xi32, #tpu.memory_space<hbm>> -> memref<100x100xi32, #tpu.memory_space<hbm>>
      %dma_wait3A_29 = arith.constant 0 : i32
      %dma_wait3A_30 = arith.constant 0 : i32
      %dma_wait3A_31 = tpu.memref_slice %arg4[%add3A, %dma_wait3A_29, %dma_wait3A_30] : memref<32x100x100xi32, #tpu.memory_space<hbm>> -> memref<1x100x100xi32, #tpu.memory_space<hbm>>
      %dma_wait3A_32 = tpu.memref_squeeze %dma_wait3A_31 : memref<1x100x100xi32, #tpu.memory_space<hbm>> -> memref<100x100xi32, #tpu.memory_space<hbm>>
      tpu.wait_dma2 semaphore(%run_scoped3A : memref<!tpu.dma_semaphore, #tpu.memory_space<semaphore_mem>>) src(%dma_wait3A_32 : memref<100x100xi32, #tpu.memory_space<hbm>>) dst(%arg8 : memref<100x100xi32, #tpu.memory_space<vmem>>)
      tpu.yield
    }) : () -> ()
    %barrier3A = arith.constant 0 : index
    tpu.barrier barrier_id(%barrier3A)
    %dma_start3A = arith.constant 0 : i32
    %dma_start3A_3 = arith.constant 0 : i32
    %dma_start3A_4 = tpu.memref_slice %arg7[%dma_start3A, %dma_start3A_3] : memref<100x100xi32, #tpu.memory_space<vmem>> -> memref<1x100xi32, #tpu.memory_space<vmem>>
    %dma_start3A_5 = tpu.memref_squeeze %dma_start3A_4 : memref<1x100xi32, #tpu.memory_space<vmem>> -> memref<100xi32, #tpu.memory_space<vmem>>
    %dma_start3A_6 = arith.constant 0 : i32
    %dma_start3A_7 = arith.constant 0 : i32
    %dma_start3A_8 = tpu.memref_slice %arg2[%dma_start3A_6, %dma_start3A_7] : memref<10000x16xf32, #tpu.memory_space<hbm>> -> memref<10000x16xf32, #tpu.memory_space<hbm>>
    tpu.enqueue_indirect_dma source(%dma_start3A_8 : memref<10000x16xf32, #tpu.memory_space<hbm>>) target(%arg9 : memref<100x16xf32, #tpu.memory_space<vmem>>) offsets(%dma_start3A_5 : memref<100xi32, #tpu.memory_space<vmem>>) semaphore(%arg12 : memref<!tpu.dma_semaphore, #tpu.memory_space<semaphore_mem>>)
    %scan3A = arith.constant 0 : i32
    %scan3A_9 = arith.constant 0 : i32
    %scan3A_10 = arith.constant 50 : i32
    %scan3A_11 = arith.addi %scan3A_9, %scan3A_10 : i32
    %scan3A_12 = arith.constant 1 : i32
    scf.for %scan3A_18 = %scan3A_9 to %scan3A_11 step %scan3A_12  : i32 {
      %mul3A_19 = arith.constant 2 : i32
      %mul3A_20 = arith.muli %mul3A_19, %scan3A_18 : i32
      %add3A_21 = arith.constant 1 : i32
      %add3A_22 = arith.addi %mul3A_20, %add3A_21 : i32
      %dma_start3A_23 = arith.constant 0 : i32
      %dma_start3A_24 = tpu.memref_slice %arg7[%add3A_22, %dma_start3A_23] : memref<100x100xi32, #tpu.memory_space<vmem>> -> memref<1x100xi32, #tpu.memory_space<vmem>>
      %dma_start3A_25 = tpu.memref_squeeze %dma_start3A_24 : memref<1x100xi32, #tpu.memory_space<vmem>> -> memref<100xi32, #tpu.memory_space<vmem>>
      %dma_start3A_26 = arith.constant 0 : i32
      %dma_start3A_27 = arith.constant 0 : i32
      %dma_start3A_28 = tpu.memref_slice %arg2[%dma_start3A_26, %dma_start3A_27] : memref<10000x16xf32, #tpu.memory_space<hbm>> -> memref<10000x16xf32, #tpu.memory_space<hbm>>
      tpu.enqueue_indirect_dma source(%dma_start3A_28 : memref<10000x16xf32, #tpu.memory_space<hbm>>) target(%arg10 : memref<100x16xf32, #tpu.memory_space<vmem>>) offsets(%dma_start3A_25 : memref<100xi32, #tpu.memory_space<vmem>>) semaphore(%arg13 : memref<!tpu.dma_semaphore, #tpu.memory_space<semaphore_mem>>)
      %dma_wait3A = arith.constant 0 : i32
      %dma_wait3A_29 = tpu.memref_slice %arg7[%mul3A_20, %dma_wait3A] : memref<100x100xi32, #tpu.memory_space<vmem>> -> memref<1x100xi32, #tpu.memory_space<vmem>>
      %dma_wait3A_30 = tpu.memref_squeeze %dma_wait3A_29 : memref<1x100xi32, #tpu.memory_space<vmem>> -> memref<100xi32, #tpu.memory_space<vmem>>
      %dma_wait3A_31 = arith.constant 0 : i32
      %dma_wait3A_32 = arith.constant 0 : i32
      %dma_wait3A_33 = tpu.memref_slice %arg2[%dma_wait3A_31, %dma_wait3A_32] : memref<10000x16xf32, #tpu.memory_space<hbm>> -> memref<10000x16xf32, #tpu.memory_space<hbm>>
      tpu.wait_indirect_dma semaphore(%arg12 : memref<!tpu.dma_semaphore, #tpu.memory_space<semaphore_mem>>) src(%dma_wait3A_33 : memref<10000x16xf32, #tpu.memory_space<hbm>>) dst(%arg9 : memref<100x16xf32, #tpu.memory_space<vmem>>)
      "tpu.region"() ({
        %run_scoped3A = tpu.sem_alloc : memref<!tpu.dma_semaphore, #tpu.memory_space<semaphore_mem>>
        %dma_start3A_44 = arith.constant 0 : i32
        %dma_start3A_45 = tpu.memref_slice %arg8[%mul3A_20, %dma_start3A_44] : memref<100x100xi32, #tpu.memory_space<vmem>> -> memref<1x100xi32, #tpu.memory_space<vmem>>
        %dma_start3A_46 = tpu.memref_squeeze %dma_start3A_45 : memref<1x100xi32, #tpu.memory_space<vmem>> -> memref<100xi32, #tpu.memory_space<vmem>>
        %dma_start3A_47 = arith.constant 0 : i32
        %dma_start3A_48 = arith.constant 0 : i32
        %dma_start3A_49 = tpu.memref_slice %arg11[%dma_start3A_47, %dma_start3A_48] : memref<10240x16xf32, #tpu.memory_space<vmem_shared>> -> memref<10240x16xf32, #tpu.memory_space<vmem_shared>>
        tpu.enqueue_indirect_dma source(%arg9 : memref<100x16xf32, #tpu.memory_space<vmem>>) target(%dma_start3A_49 : memref<10240x16xf32, #tpu.memory_space<vmem_shared>>) offsets(%dma_start3A_46 : memref<100xi32, #tpu.memory_space<vmem>>) semaphore(%run_scoped3A : memref<!tpu.dma_semaphore, #tpu.memory_space<semaphore_mem>>) {add = true}
        %dma_wait3A_50 = arith.constant 0 : i32
        %dma_wait3A_51 = tpu.memref_slice %arg8[%mul3A_20, %dma_wait3A_50] : memref<100x100xi32, #tpu.memory_space<vmem>> -> memref<1x100xi32, #tpu.memory_space<vmem>>
        %dma_wait3A_52 = tpu.memref_squeeze %dma_wait3A_51 : memref<1x100xi32, #tpu.memory_space<vmem>> -> memref<100xi32, #tpu.memory_space<vmem>>
        %dma_wait3A_53 = arith.constant 0 : i32
        %dma_wait3A_54 = arith.constant 0 : i32
        %dma_wait3A_55 = tpu.memref_slice %arg11[%dma_wait3A_53, %dma_wait3A_54] : memref<10240x16xf32, #tpu.memory_space<vmem_shared>> -> memref<10240x16xf32, #tpu.memory_space<vmem_shared>>
        tpu.wait_indirect_dma semaphore(%run_scoped3A : memref<!tpu.dma_semaphore, #tpu.memory_space<semaphore_mem>>) src(%arg9 : memref<100x16xf32, #tpu.memory_space<vmem>>) dst(%dma_wait3A_55 : memref<10240x16xf32, #tpu.memory_space<vmem_shared>>)
        tpu.yield
      }) : () -> ()
      %add3A_34 = arith.constant 1 : i32
      %add3A_35 = arith.addi %add3A_22, %add3A_34 : i32
      %lt3A = arith.constant 100 : i32
      %lt3A_36 = arith.cmpi slt, %add3A_35, %lt3A : i32
      %convert_element_type3A = arith.extui %lt3A_36 : i1 to i32
      %cond3A = arith.constant 0 : i32
      %cond3A_37 = arith.cmpi ne, %convert_element_type3A, %cond3A : i32
      scf.if %cond3A_37 {
        %add3A_44 = arith.constant 1 : i32
        %add3A_45 = arith.addi %add3A_22, %add3A_44 : i32
        %dma_start3A_46 = arith.constant 0 : i32
        %dma_start3A_47 = tpu.memref_slice %arg7[%add3A_45, %dma_start3A_46] : memref<100x100xi32, #tpu.memory_space<vmem>> -> memref<1x100xi32, #tpu.memory_space<vmem>>
        %dma_start3A_48 = tpu.memref_squeeze %dma_start3A_47 : memref<1x100xi32, #tpu.memory_space<vmem>> -> memref<100xi32, #tpu.memory_space<vmem>>
        %dma_start3A_49 = arith.constant 0 : i32
        %dma_start3A_50 = arith.constant 0 : i32
        %dma_start3A_51 = tpu.memref_slice %arg2[%dma_start3A_49, %dma_start3A_50] : memref<10000x16xf32, #tpu.memory_space<hbm>> -> memref<10000x16xf32, #tpu.memory_space<hbm>>
        tpu.enqueue_indirect_dma source(%dma_start3A_51 : memref<10000x16xf32, #tpu.memory_space<hbm>>) target(%arg9 : memref<100x16xf32, #tpu.memory_space<vmem>>) offsets(%dma_start3A_48 : memref<100xi32, #tpu.memory_space<vmem>>) semaphore(%arg12 : memref<!tpu.dma_semaphore, #tpu.memory_space<semaphore_mem>>)
      } else {
      }
      %dma_wait3A_38 = arith.constant 0 : i32
      %dma_wait3A_39 = tpu.memref_slice %arg7[%add3A_22, %dma_wait3A_38] : memref<100x100xi32, #tpu.memory_space<vmem>> -> memref<1x100xi32, #tpu.memory_space<vmem>>
      %dma_wait3A_40 = tpu.memref_squeeze %dma_wait3A_39 : memref<1x100xi32, #tpu.memory_space<vmem>> -> memref<100xi32, #tpu.memory_space<vmem>>
      %dma_wait3A_41 = arith.constant 0 : i32
      %dma_wait3A_42 = arith.constant 0 : i32
      %dma_wait3A_43 = tpu.memref_slice %arg2[%dma_wait3A_41, %dma_wait3A_42] : memref<10000x16xf32, #tpu.memory_space<hbm>> -> memref<10000x16xf32, #tpu.memory_space<hbm>>
      tpu.wait_indirect_dma semaphore(%arg13 : memref<!tpu.dma_semaphore, #tpu.memory_space<semaphore_mem>>) src(%dma_wait3A_43 : memref<10000x16xf32, #tpu.memory_space<hbm>>) dst(%arg10 : memref<100x16xf32, #tpu.memory_space<vmem>>)
      "tpu.region"() ({
        %run_scoped3A = tpu.sem_alloc : memref<!tpu.dma_semaphore, #tpu.memory_space<semaphore_mem>>
        %dma_start3A_44 = arith.constant 0 : i32
        %dma_start3A_45 = tpu.memref_slice %arg8[%add3A_22, %dma_start3A_44] : memref<100x100xi32, #tpu.memory_space<vmem>> -> memref<1x100xi32, #tpu.memory_space<vmem>>
        %dma_start3A_46 = tpu.memref_squeeze %dma_start3A_45 : memref<1x100xi32, #tpu.memory_space<vmem>> -> memref<100xi32, #tpu.memory_space<vmem>>
        %dma_start3A_47 = arith.constant 0 : i32
        %dma_start3A_48 = arith.constant 0 : i32
        %dma_start3A_49 = tpu.memref_slice %arg11[%dma_start3A_47, %dma_start3A_48] : memref<10240x16xf32, #tpu.memory_space<vmem_shared>> -> memref<10240x16xf32, #tpu.memory_space<vmem_shared>>
        tpu.enqueue_indirect_dma source(%arg10 : memref<100x16xf32, #tpu.memory_space<vmem>>) target(%dma_start3A_49 : memref<10240x16xf32, #tpu.memory_space<vmem_shared>>) offsets(%dma_start3A_46 : memref<100xi32, #tpu.memory_space<vmem>>) semaphore(%run_scoped3A : memref<!tpu.dma_semaphore, #tpu.memory_space<semaphore_mem>>) {add = true}
        %dma_wait3A_50 = arith.constant 0 : i32
        %dma_wait3A_51 = tpu.memref_slice %arg8[%add3A_22, %dma_wait3A_50] : memref<100x100xi32, #tpu.memory_space<vmem>> -> memref<1x100xi32, #tpu.memory_space<vmem>>
        %dma_wait3A_52 = tpu.memref_squeeze %dma_wait3A_51 : memref<1x100xi32, #tpu.memory_space<vmem>> -> memref<100xi32, #tpu.memory_space<vmem>>
        %dma_wait3A_53 = arith.constant 0 : i32
        %dma_wait3A_54 = arith.constant 0 : i32
        %dma_wait3A_55 = tpu.memref_slice %arg11[%dma_wait3A_53, %dma_wait3A_54] : memref<10240x16xf32, #tpu.memory_space<vmem_shared>> -> memref<10240x16xf32, #tpu.memory_space<vmem_shared>>
        tpu.wait_indirect_dma semaphore(%run_scoped3A : memref<!tpu.dma_semaphore, #tpu.memory_space<semaphore_mem>>) src(%arg10 : memref<100x16xf32, #tpu.memory_space<vmem>>) dst(%dma_wait3A_55 : memref<10240x16xf32, #tpu.memory_space<vmem_shared>>)
        tpu.yield
      }) : () -> ()
    }
    %scan3A_13 = arith.constant 50 : i32
    %barrier3A_14 = arith.constant 0 : index
    tpu.barrier barrier_id(%barrier3A_14)
    %mul3A_15 = arith.constant 10240 : i32
    %mul3A_16 = arith.muli %arg0, %mul3A_15 : i32
    %add3A_17 = arith.addi %mul3A_16, %mul3A_2 : i32
    "tpu.region"() ({
      %run_scoped3A = tpu.sem_alloc : memref<!tpu.dma_semaphore, #tpu.memory_space<semaphore_mem>>
      %dma_start3A_18 = arith.constant 0 : i32
      %dma_start3A_19 = tpu.memref_slice %arg6[%add3A_17, %dma_start3A_18] : memref<20480x16xf32, #tpu.memory_space<hbm>> -> memref<640x16xf32, #tpu.memory_space<hbm>>
      %dma_start3A_20 = arith.constant 0 : i32
      %dma_start3A_21 = tpu.memref_slice %arg11[%mul3A_2, %dma_start3A_20] : memref<10240x16xf32, #tpu.memory_space<vmem_shared>> -> memref<640x16xf32, #tpu.memory_space<vmem_shared>>
      tpu.enqueue_dma source(%dma_start3A_21 : memref<640x16xf32, #tpu.memory_space<vmem_shared>>) target(%dma_start3A_19 : memref<640x16xf32, #tpu.memory_space<hbm>>) target_semaphore(%run_scoped3A : memref<!tpu.dma_semaphore, #tpu.memory_space<semaphore_mem>>)
      %dma_wait3A = arith.constant 0 : i32
      %dma_wait3A_22 = tpu.memref_slice %arg6[%add3A_17, %dma_wait3A] : memref<20480x16xf32, #tpu.memory_space<hbm>> -> memref<640x16xf32, #tpu.memory_space<hbm>>
      %dma_wait3A_23 = arith.constant 0 : i32
      %dma_wait3A_24 = tpu.memref_slice %arg11[%mul3A_2, %dma_wait3A_23] : memref<10240x16xf32, #tpu.memory_space<vmem_shared>> -> memref<640x16xf32, #tpu.memory_space<vmem_shared>>
      tpu.wait_dma2 semaphore(%run_scoped3A : memref<!tpu.dma_semaphore, #tpu.memory_space<semaphore_mem>>) src(%dma_wait3A_24 : memref<640x16xf32, #tpu.memory_space<vmem_shared>>) dst(%dma_wait3A_22 : memref<640x16xf32, #tpu.memory_space<hbm>>)
      tpu.yield
    }) : () -> ()
    return
  }
}

</mosaic_0001>

<sc_bundles>
// kernel: kernel.11.cloned.1.call-start
scs
__scs_entry_jumppad:
0x0: {  	(pc) =	sbr.rel $0x88, $3  }
0x1: {  	(tag) =	ssettag $0x0;
	lr =	simm.s32 $0x1  }
0x2: {  	[smem:$0x3F97] =	sst lr;
	_ =	strace $0xD0000000  }
0x3: {  	_ = 	snop  }
0x4: {  	_ = 	snop  }
0x5: {  	_ = 	snop  }
0x6: {  	_ = 	snop  }
0x7: {  	_ = 	snop  }
__scs_overlays_trampoline_lowered:
0x8: {  	[smem:$0x3FA6] =	sst s0  }
0x9: {  	[smem:$0x3FA7] =	sst s1  }
0xa: {  	[smem:$0x3FA8] =	sst s2  }
0xb: {  	[smem:$0x3FA9] =	sst s3  }
0xc: {  	[smem:$0x3FAA] =	sst s4  }
0xd: {  	[smem:$0x3FAB] =	sst s5  }
0xe: {  	[smem:$0x3FAC] =	sst s6  }
0xf: {  	[smem:$0x3FAD] =	sst s7  }
0x10: {  	[smem:$0x3FAE] =	sst s8  }
0x11: {  	[smem:$0x3FAF] =	sst s9;
	s0 =	simm.s32 @!p0 $0x0  }
0x12: {  	s1 =	sld [smem:$0x3F95];
	s0 =	simm.s32 @p0 $0x1  }
0x13: {  	[smem:$0x3FB0] =	sst s0;
	s0 =	simm.s32 @!p1 $0x0  }
0x14: {  	s2 =	sld [smem:$0x3F94];
	s0 =	simm.s32 @p1 $0x1  }
0x15: {  	[smem:$0x3FB1] =	sst s0;
	s0 =	simm.s32 @!p2 $0x0  }
0x16: {  	s3 =	sld [smem:$0x3FDB];
	s0 =	simm.s32 @p2 $0x1  }
0x17: {  	s4 =	simm.s32 $0x1BF5;
	[smem:$0x3FB3] =	sst s0  }
0x18: {  	s0 =	sld [smem:$0x3F96];
	_ =	swait.ge [sflag:s4], $0x0  }
0x19: {  	s7 =	sld [smem:$0x3F97]  }
0x1a: {  	s8 =	sadd.s32 $0xFFFFE003, lr  }
0x1b: {  	s9 =	sadd.s32 $0xFFFFFEF7, lr;
	s5 =	simm.s32 $0xFFFFFFFF;
	p2 =	slt.u32 s8, $0xFFFFF086  }
0x1c: {  	p1 =	slt.u32 s9, $0xF7A;
	s5 =	simm.s32 @!p2 $0x0  }
0x1d: {  	s5 =	simm.s32 @p1 $0x1;
	p0 =	seq.s32 s7, s2  }
0x1e: {  	s7 =	smul.u32 @!p0 $0xF7A, s2;
	p2 =	seq.s32 @!p0 s5, $0x0  }
0x1f: {  	s9 =	smul.u32 $0xF7A, s1;
	s8 =	simm.s32 @!p0 $0x1BF5;
	p2 =	por !p2, p0  }
0x20: {  	[sflag:s8] =	ssyncset.s32 @!p0 $0xFFFFF086;
	s6 =	sadd.s32 @!p0 s3, s7;
	s7 =	simm.s32 @!p0 $0x108  }
0x21: {  	s3 =	sadd.s32 s3, s9;
	s6 =	sadd.s32 @!p0 $0x88, s6;
	s7 =	simm.s32 @p2 $0x1082  }
0x22: {  	[simem:s7], [sflag:s8] =	dma.local @!p0 [hbm:s6], $0xF7A  }
0x23: {  	s9 =	sor.u32 $0xD0000000, s2;
	s6 =	simm.s32 $0x108;
	_ =	swait.ge @!p0 [sflag:s8], $0x0  }
0x24: {  	s3 =	sadd.s32 $0x88, s3;
	s6 =	simm.s32 @!p1 $0x1082;
	[sflag:s4] =	ssyncset.s32 $0xFFFFF086  }
0x25: {  	[simem:s6], [sflag:s4] =	dma.local [hbm:s3], $0xF7A  }
0x26: {  	[smem:$0x3F97] =	sst s1;
	(tag) =	ssettag s2;
	_ =	strace s9  }
0x27: {  	s1 =	sld [smem:$0x3FA7]  }
0x28: {  	s2 =	sld [smem:$0x3FA8]  }
0x29: {  	s4 =	sld [smem:$0x3FAA]  }
0x2a: {  	p0 =	seq.s32 s5, $0x0;
	s5 =	sld [smem:$0x3FAB]  }
0x2b: {  	s6 =	sld [smem:$0x3FAC]  }
0x2c: {  	s7 =	sld [smem:$0x3FAD]  }
0x2d: {  	s3 =	simm.s32 $0x108;
	s8 =	sld [smem:$0x3FAE]  }
0x2e: {  	s3 =	simm.s32 @!p0 $0x1082;
	s9 =	sld [smem:$0x3FAF]  }
0x2f: {  	lr =	sadd.s32 s0, s3;
	s0 =	sld [smem:$0x3FA6]  }
0x30: {  	s3 =	sld [smem:$0x3FA9]  }
0x31: {  	[smem:$0x3FB2] =	sst s10  }
0x32: {  	s10 =	sld [smem:$0x3FB0];
	_ =	sdelay $0x3  }
0x33: {  	p0 =	seq.s32 s10, $0x1;
	s10 =	sld [smem:$0x3FB2];
	_ =	sdelay $0x3  }
0x34: {  	[smem:$0x3FB2] =	sst s10  }
0x35: {  	s10 =	sld [smem:$0x3FB1];
	_ =	sdelay $0x3  }
0x36: {  	p1 =	seq.s32 s10, $0x1;
	s10 =	sld [smem:$0x3FB2];
	_ =	sdelay $0x3  }
0x37: {  	[smem:$0x3FB2] =	sst s10  }
0x38: {  	s10 =	sld [smem:$0x3FB3]  }
0x39: {  	_ = 	snop;
	(pc) =	sbr.ind lr, $3  }
0x3a: {  	_ = 	snop  }
0x3b: {  	_ = 	snop  }
0x3c: {  	p2 =	seq.s32 s10, $0x1;
	s10 =	sld [smem:$0x3FB2]  }
0x3d: {  	_ =	shalt  }
0x3e: {  	_ =	shalt  }
0x3f: {  	_ =	shalt  }
0x40: {  	_ =	shalt  }
0x41: {  	_ =	shalt  }
0x42: {  	_ =	shalt  }
0x43: {  	_ =	shalt  }
0x44: {  	_ =	shalt  }
0x45: {  	_ =	shalt  }
0x46: {  	_ =	shalt  }
0x47: {  	_ =	shalt  }
0x48: {  	_ =	shalt  }
0x49: {  	_ =	shalt  }
0x4a: {  	_ =	shalt  }
0x4b: {  	_ =	shalt  }
0x4c: {  	_ =	shalt  }
0x4d: {  	_ =	shalt  }
0x4e: {  	_ =	shalt  }
0x4f: {  	_ =	shalt  }
0x50: {  	_ =	shalt  }
0x51: {  	_ =	shalt  }
0x52: {  	_ =	shalt  }
0x53: {  	_ =	shalt  }
0x54: {  	_ =	shalt  }
0x55: {  	_ =	shalt  }
0x56: {  	_ =	shalt  }
0x57: {  	_ =	shalt  }
0x58: {  	_ =	shalt  }
0x59: {  	_ =	shalt  }
0x5a: {  	_ =	shalt  }
0x5b: {  	_ =	shalt  }
0x5c: {  	_ =	shalt  }
0x5d: {  	_ =	shalt  }
0x5e: {  	_ =	shalt  }
0x5f: {  	_ =	shalt  }
0x60: {  	_ =	shalt  }
0x61: {  	_ =	shalt  }
0x62: {  	_ =	shalt  }
0x63: {  	_ =	shalt  }
0x64: {  	_ =	shalt  }
0x65: {  	_ =	shalt  }
0x66: {  	_ =	shalt  }
0x67: {  	_ =	shalt  }
0x68: {  	_ =	shalt  }
0x69: {  	_ =	shalt  }
0x6a: {  	_ =	shalt  }
0x6b: {  	_ =	shalt  }
0x6c: {  	_ =	shalt  }
0x6d: {  	_ =	shalt  }
0x6e: {  	_ =	shalt  }
0x6f: {  	_ =	shalt  }
0x70: {  	_ =	shalt  }
0x71: {  	_ =	shalt  }
0x72: {  	_ =	shalt  }
0x73: {  	_ =	shalt  }
0x74: {  	_ =	shalt  }
0x75: {  	_ =	shalt  }
0x76: {  	_ =	shalt  }
0x77: {  	_ =	shalt  }
0x78: {  	_ =	shalt  }
0x79: {  	_ =	shalt  }
0x7a: {  	_ =	shalt  }
0x7b: {  	_ =	shalt  }
0x7c: {  	_ =	shalt  }
0x7d: {  	_ =	shalt  }
0x7e: {  	_ =	shalt  }
0x7f: {  	_ =	shalt  }
0x80: {  	_ =	shalt  }
0x81: {  	_ =	shalt  }
0x82: {  	_ =	shalt  }
0x83: {  	_ =	shalt  }
0x84: {  	_ =	shalt  }
0x85: {  	_ =	shalt  }
0x86: {  	_ =	shalt  }
0x87: {  	_ =	shalt  }
.Lfunc_end0:
.L_simem_size_0:
called_computation.2_lowered:
.L_overlay_start_0:
0x88: {  	s2 =	sld [smem:$0x3FD9]  }
0x89: {  	s3 =	sld [smem:$0x3FFE];
	_ =	sdelay $0x1  }
0x8a: {  	s1 =	srdreg.scid  }
0x8b: {  	s0 =	sand.u32 $0x1, s1  }
0x8c: {  	s16 =	sshll.u32 s0, $0xA;
	s2 =	sadd.s32 s3, s2  }
0x8d: {  	s2 =	sadd.s32 s2, s16  }
0x8e: {  	[smem:$0x3FBE] =	sst s2  }
0x8f: {  	_ = 	snop  }
0x90: {  	(tm) =	ssettm $0x1  }
0x91: {  	s17 =	sld [smem:$0x3FFB];
	_ =	sdelay $0x3  }
0x92: {  	_ =	strace s17  }
0x93: {  	s2 =	sld [smem:$0x3FFC];
	_ =	sdelay $0x3  }
0x94: {  	_ =	strace s2  }
0x95: {  	s2 =	sld [smem:$0x3FFD];
	_ =	sdelay $0x3  }
0x96: {  	_ =	strace s2  }
0x97: {  	_ =	strace $0x8FFFFFFF  }
0x98: {  	s18 =	sld [smem:$0x3FDB];
	_ =	sdelay $0x1  }
0x99: {  	s19 =	simm.s32 $_scs_section_size  }
0x9a: {  	s4 =	simm.s32 $_size__tile_overlayer_lowered;
	s5 =	simm.s32 $_tile_overlayer_lowered  }
0x9b: {  	s22 =	simm.s32 $0x1BFF;
	s21 =	sshll.u32 s5, $0x1;
	s2 =	sadd.s32 s19, s18  }
0x9c: {  	s6 =	simm.s32 $0x0;
	s20 =	sshll.u32 s4, $0x1;
	s4 =	sadd.s32 s21, s2  }
0x9d: {  	[timem:s6], [sflag:s22] =	dma.local [hbm:s4], s20  }
0x9e: {  	_ =	swait.ge [sflag:s22], s20  }
0x9f: {  	s3 =	ssub.s32 $0x0, s20;
	[sflag:s22] =	ssyncset.done $0x0  }
0xa0: {  	[sflag:s22] =	ssyncadd.s32 s3;
	_ =	sdelay $0x1  }
0xa1: {  	s23 =	simm.s32 $0x1B8B  }
0xa2: {  	_ =	swait.ge [sflag:s23], $0x1  }
0xa3: {  	[sflag:s23] =	ssyncset.done $0x0  }
0xa4: {  	s25 =	simm.s32 $0x1B8E;
	s24 =	sld [smem:$0x3FFE];
	[sflag:s23] =	ssyncadd.s32 $0xFFFFFFFF  }
0xa5: {  	s26 =	simm.s32 $execute0_lowered;
	[smem:$0x3FD2] =	sst s25  }
0xa6: {  	s4 =	sshll.u32 s26, $0x1;
	_ =	strace $0x8000004C;
	[dreg:$0x1] =	wrdreg $0xFFFFFFFF  }
0xa7: {  	s28 =	simm.s32 $_size_execute0_lowered;
	s2 =	sadd.s32 s2, s4;
	[dreg:$0x0] =	wrdreg $0x0  }
0xa8: {  	s4 =	sshll.u32 s28, $0x1;
	[dreg:$0x2] =	wrdreg s2  }
0xa9: {  	[dreg:$0x3] =	wrdreg s4  }
0xaa: {  	[dreg:$0x4] =	wrdreg $0xC0  }
0xab: {  	_ =	task [dreg:s6], $0x5FFFF  }
0xac: {  	[dreg:$0x1] =	wrdreg $0xFFFFFFFF  }
0xad: {  	[dreg:$0x0] =	wrdreg $0x60  }
0xae: {  	[dreg:$0x2] =	wrdreg s24  }
0xaf: {  	[dreg:$0x3] =	wrdreg $0x5DC00  }
0xb0: {  	[dreg:$0x4] =	wrdreg $0x9  }
0xb1: {  	_ =	task.clear_ibuf [dreg:s6], $0x5FFFF;
	_ =	strace $0x9000004C  }
0xb2: {  	s29 =	simm.s32 $0x9;
	_ =	strace $0x8000004E  }
0xb3: {  	_ =	swait.ge [sflag:s29], $0x1  }
0xb4: {  	[sflag:s29] =	ssyncadd.s32 $0xFFFFFFFF  }
0xb5: {  	_ =	strace $0x9000004E  }
0xb6: {  	_ =	sfence  }
0xb7: {  	s30 =	sld [smem:$0x0];
	_ =	sdelay $0x2  }
0xb8: {  	s31 =	sshll.u32 s1, $0xD;
	s1 =	sshrl.u32 s1, $0x2  }
0xb9: {  	s3 =	sand.u32 $0x4000, s31;
	s1 =	sadd.s32 s1, s30  }
0xba: {  	s0 =	sor.u32 s3, s0;
	s1 =	sshll.u32 s1, $0x11  }
0xbb: {  	s0 =	sor.u32 s1, s0  }
0xbc: {  	s0 =	sadd.s32 $0x8F2B, s0  }
0xbd: {  	[sflag:s0] =	ssyncadd.remote.s32 $0x1  }
0xbe: {  	_ =	sfence.sel $0xFFFF  }
0xbf: {  	[dreg:$0x0] =	wrdreg $0xFFFFFFFF;
	(pc) =	sbr.abs _section_cstart, $3  }
0xc0: {  	[dreg:$0x1] =	wrdreg $0xFFFFFFFF  }
0xc1: {  	_ =	task.clear_ibuf [dreg:s6], $0x2FFFF;
	_ =	strace $0x9FFFFFFF  }
0xc2: {  	(tm) =	ssettm $0x7FFFFFFF  }
0xc3: {  	_ =	shalt  }
tec
execute0_lowered:
.L_overlay_start_1:
0x0: {  	(tag) =	ssettag $0x1  }
0x1: {  	s7 =	rddreg [dreg:$0x0]  }
0x2: {  	s2 =	rddreg [dreg:$0x1]  }
0x3: {  	s0 =	rddreg [dreg:$0x2];
	s1 =	stileid.u32  }
0x4: {  	s3 =	simm.s32 $0x0;
	s4 =	srdreg.scid;
	s14 =	simm.s32 $0x64  }
0x5: {  	s15 =	simm.s32 $0x5140;
	s16 =	simm.s32 $0x5780;
	s17 =	simm.s32 $0x1  }
0x6: {  	s18 =	simm.s32 $0x2;
	s19 =	simm.s32 $0x2838;
	s20 =	simm.s32 $0x5070  }
0x7: {  	s21 =	simm.s32 $0x50D8;
	s22 =	simm.s32 $0x0;
	s5 =	smul.u32 $0x2800, s1  }
0x8: {  	[smem:$0x7FF] =	sst s3;
	s6 =	sand.u32 $0x1, s4;
	s8 =	smul.u32 $0x500, s1  }
0x9: {  	s4 =	sadd.s32 $0xF400, s7;
	s11 =	sshll.u32 s1, $0x1;
	s31 =	sshll.u32 s1, $0x6  }
0xa: {  	_ =	strace $0x8000004D;
	s10 =	smul.u32 $0x5000, s6;
	s28 =	ssub.s32 $0x2, s6  }
0xb: {  	s6 =	sor.u32 s6, s11;
	s9 =	sshrl.u32 s5, $0x3;
	s30 =	sshrl.u32 s28, $0x1  }
0xc: {  	s12 =	smul.u32 $0x514, s6;
	s13 =	sadd.s32 s5, s2;
	s6 =	sor.u32 $0x1C03, s31  }
0xd: {  	s9 =	sadd.s32 s9, s7;
	s8 =	sadd.s32 s8, s10;
	s10 =	ssub.s32 s28, s30  }
0xe: {  	s11 =	sshrl.u32 s13, $0x3;
	s13 =	simm.s32 $0x28A0;
	s29 =	sadd.s32 s8, s7  }
0xf: {  	s5 =	sadd.s32 $0xA400, s9;
	s7 =	sadd.s32 s7, s12;
	s10 =	smax.u32 s10, $0x1  }
0x10: {  	s12 =	simm.s32 $0x3;
	s8 =	sadd.s32 $0x19400, s7;
	s9 =	sadd.s32 $0x23800, s29  }
.LBB2_1:
0x11: {  	[spmem:s11], [sflag:s6] =	dma.local [hbm:s5], $0x500  }
0x12: {  	_ =	swait.ge [sflag:s12], $0x500  }
0x13: {  	[sflag:s12] =	ssyncset.done $0x0  }
0x14: {  	[sflag:s12] =	ssyncadd.s32 $0xFFFFFB00  }
0x15: {  	[tilespmem:s3], [sflag:$0x3] =	stream.linear.gather [hbm4b:s8+s3], $0x28A0, $0x38;
	[tilespmem:$0x85C0] =	vst v63  }
0x16: {  	_ =	swait.ge [sflag:s12], $0x28A0  }
0x17: {  	[sflag:s12] =	ssyncset.done $0x0  }
0x18: {  	[sflag:s12] =	ssyncadd.s32 $0xFFFFD760  }
0x19: {  	[tilespmem:s13], [sflag:$0x3] =	stream.linear.gather [hbm4b:s7+s3], $0x28A0, $0x38;
	[tilespmem:$0x85C0] =	vst v63  }
0x1a: {  	_ =	swait.ge [sflag:s12], $0x28A0  }
0x1b: {  	[sflag:s12] =	ssyncset.done $0x0  }
0x1c: {  	[sflag:s12] =	ssyncadd.s32 $0xFFFFD760  }
0x1d: {  	[bflag:$0x0] =	sbarrier.arrive $0xFFFF  }
0x1e: {  	[tilespmem:s15], [sflag:$0x1] =	stream.indirect.gather [hbm4b:s4+s14], $0x10, s3, s14, $0xb8;
	[tilespmem:$0x85C0] =	vst v63  }
0x1f: {  	s23 =	simm.s32 $0x68  }
0x20: {  	[tilespmem:s16], [sflag:$0x2] =	stream.indirect.gather [hbm4b:s4+s14], $0x10, s23, s14, $0xb8;
	[tilespmem:$0x85C0] =	vst v63  }
0x21: {  	_ =	swait.ge [sflag:s17], $0x640  }
0x22: {  	[sflag:s17] =	ssyncset.done $0x0  }
0x23: {  	s29 =	simm.s32 $0x28A0;
	[sflag:s17] =	ssyncadd.s32 $0xFFFFF9C0  }
0x24: {  	[spmem:s2] =	stream.indirect.scatter.add.f32 [tilespmem:s15], [sflag:$0x3], $0x10, s29, s14, $0xb8;
	[tilespmem:$0x85C0] =	vst v63  }
0x25: {  	_ =	swait.ge [sflag:s12], $0x640  }
0x26: {  	[sflag:s12] =	ssyncset.done $0x0  }
0x27: {  	s30 =	simm.s32 $0xD0;
	[sflag:s12] =	ssyncadd.s32 $0xFFFFF9C0  }
0x28: {  	[tilespmem:s15], [sflag:$0x1] =	stream.indirect.gather [hbm4b:s4+s14], $0x10, s30, s14, $0xb8;
	[tilespmem:$0x85C0] =	vst v63  }
0x29: {  	_ =	swait.ge [sflag:s18], $0x640  }
0x2a: {  	[sflag:s18] =	ssyncset.done $0x0  }
0x2b: {  	s31 =	simm.s32 $0x2908;
	[sflag:s18] =	ssyncadd.s32 $0xFFFFF9C0  }
0x2c: {  	[spmem:s2] =	stream.indirect.scatter.add.f32 [tilespmem:s16], [sflag:$0x3], $0x10, s31, s14, $0xb8;
	[tilespmem:$0x85C0] =	vst v63  }
0x2d: {  	_ =	swait.ge [sflag:s12], $0x640  }
0x2e: {  	s24 =	simm.s32 $0x680;
	s23 =	simm.s32 $0xD0;
	[sflag:s12] =	ssyncset.done $0x0  }
.LBB2_2:
0x2f: {  	s25 =	sadd.s32 $0x68, s23  }
0x30: {  	[sflag:s12] =	ssyncadd.s32 $0xFFFFF9C0;
	s26 =	smov.u32 s24;
	s28 =	sadd.s32 $0x340, s24  }
0x31: {  	[tilespmem:s16], [sflag:$0x2] =	stream.indirect.gather [hbm4b:s4+s14], $0x10, s25, s14, $0xb8;
	[tilespmem:$0x85C0] =	vst v63  }
0x32: {  	p0 =	sne.s32 s24, $0x9C00;
	_ =	swait.ge [sflag:s17], $0x640  }
0x33: {  	[sflag:s17] =	ssyncset.done $0x0  }
0x34: {  	s24 =	sadd.s32 $0x28A0, s23;
	[sflag:s17] =	ssyncadd.s32 $0xFFFFF9C0  }
0x35: {  	[spmem:s2] =	stream.indirect.scatter.add.f32 [tilespmem:s15], [sflag:$0x3], $0x10, s24, s14, $0xb8;
	[tilespmem:$0x85C0] =	vst v63  }
0x36: {  	_ =	swait.ge [sflag:s12], $0x640  }
0x37: {  	[sflag:s12] =	ssyncset.done $0x0  }
0x38: {  	s24 =	sadd.s32 $0xD0, s23;
	[sflag:s12] =	ssyncadd.s32 $0xFFFFF9C0  }
0x39: {  	[tilespmem:s15], [sflag:$0x1] =	stream.indirect.gather [hbm4b:s4+s14], $0x10, s24, s14, $0xb8;
	[tilespmem:$0x85C0] =	vst v63  }
0x3a: {  	_ =	swait.ge [sflag:s18], $0x640  }
.Ltmp0:
0x3b: {  	[sflag:s18] =	ssyncset.done $0x0;
	(pc) =	sbr.rel @p0 .LBB2_2-.Ltmp0, $4  }
0x3c: {  	s23 =	sadd.s32 $0x2908, s23;
	[sflag:s18] =	ssyncadd.s32 $0xFFFFF9C0  }
0x3d: {  	[spmem:s2] =	stream.indirect.scatter.add.f32 [tilespmem:s16], [sflag:$0x3], $0x10, s23, s14, $0xb8;
	[tilespmem:$0x85C0] =	vst v63  }
0x3e: {  	_ =	swait.ge [sflag:s12], $0x640  }
0x3f: {  	s24 =	smov.u32 s28;
	s23 =	sshra.s32 s26, $0x2;
	[sflag:s12] =	ssyncset.done $0x0  }
0x40: {  	s24 =	sadd.s32 $0x68, s23;
	[sflag:s12] =	ssyncadd.s32 $0xFFFFF9C0  }
0x41: {  	[tilespmem:s16], [sflag:$0x2] =	stream.indirect.gather [hbm4b:s4+s14], $0x10, s24, s14, $0xb8;
	[tilespmem:$0x85C0] =	vst v63  }
0x42: {  	_ =	swait.ge [sflag:s17], $0x640  }
0x43: {  	[sflag:s17] =	ssyncset.done $0x0  }
0x44: {  	s29 =	sadd.s32 $0x28A0, s23;
	[sflag:s17] =	ssyncadd.s32 $0xFFFFF9C0  }
0x45: {  	[spmem:s2] =	stream.indirect.scatter.add.f32 [tilespmem:s15], [sflag:$0x3], $0x10, s29, s14, $0xb8;
	[tilespmem:$0x85C0] =	vst v63  }
0x46: {  	_ =	swait.ge [sflag:s12], $0x640  }
0x47: {  	[sflag:s12] =	ssyncset.done $0x0  }
0x48: {  	s30 =	sadd.s32 $0xD0, s23;
	[sflag:s12] =	ssyncadd.s32 $0xFFFFF9C0  }
0x49: {  	[tilespmem:s15], [sflag:$0x1] =	stream.indirect.gather [hbm4b:s4+s14], $0x10, s30, s14, $0xb8;
	[tilespmem:$0x85C0] =	vst v63  }
0x4a: {  	_ =	swait.ge [sflag:s18], $0x640  }
0x4b: {  	[sflag:s18] =	ssyncset.done $0x0  }
0x4c: {  	s31 =	sadd.s32 $0x2908, s23;
	[sflag:s18] =	ssyncadd.s32 $0xFFFFF9C0  }
0x4d: {  	[spmem:s2] =	stream.indirect.scatter.add.f32 [tilespmem:s16], [sflag:$0x3], $0x10, s31, s14, $0xb8;
	[tilespmem:$0x85C0] =	vst v63  }
0x4e: {  	_ =	swait.ge [sflag:s12], $0x640  }
0x4f: {  	[sflag:s12] =	ssyncset.done $0x0  }
0x50: {  	[sflag:s12] =	ssyncadd.s32 $0xFFFFF9C0  }
0x51: {  	[tilespmem:s16], [sflag:$0x2] =	stream.indirect.gather [hbm4b:s4+s14], $0x10, s19, s14, $0xb8;
	[tilespmem:$0x85C0] =	vst v63  }
0x52: {  	_ =	swait.ge [sflag:s17], $0x640  }
0x53: {  	[sflag:s17] =	ssyncset.done $0x0  }
0x54: {  	[sflag:s17] =	ssyncadd.s32 $0xFFFFF9C0  }
0x55: {  	[spmem:s2] =	stream.indirect.scatter.add.f32 [tilespmem:s15], [sflag:$0x3], $0x10, s20, s14, $0xb8;
	[tilespmem:$0x85C0] =	vst v63  }
0x56: {  	_ =	swait.ge [sflag:s12], $0x640  }
0x57: {  	[sflag:s12] =	ssyncset.done $0x0  }
0x58: {  	[sflag:s12] =	ssyncadd.s32 $0xFFFFF9C0  }
0x59: {  	_ =	swait.ge [sflag:s18], $0x640  }
0x5a: {  	[sflag:s18] =	ssyncset.done $0x0  }
0x5b: {  	[sflag:s18] =	ssyncadd.s32 $0xFFFFF9C0  }
0x5c: {  	[spmem:s2] =	stream.indirect.scatter.add.f32 [tilespmem:s16], [sflag:$0x3], $0x10, s21, s14, $0xb8;
	[tilespmem:$0x85C0] =	vst v63  }
0x5d: {  	_ =	swait.ge [sflag:s12], $0x640  }
0x5e: {  	s22 =	sadd.s32 $0x1, s22;
	[sflag:s12] =	ssyncset.done $0x0  }
0x5f: {  	p0 =	sne.s32 s22, s10;
	[sflag:s12] =	ssyncadd.s32 $0xFFFFF9C0  }
.Ltmp1:
0x60: {  	[bflag:$0x0] =	sbarrier.arrive $0xFFFF;
	(pc) =	sbr.rel @p0 .LBB2_1-.Ltmp1, $4  }
0x61: {  	[hbm:s9], [sflag:s6] =	dma.local [spmem:s11], $0x500  }
0x62: {  	_ =	swait.ge [sflag:s12], $0x500  }
0x63: {  	[sflag:s12] =	ssyncset.done $0x0  }
0x64: {  	[sflag:s12] =	ssyncadd.s32 $0xFFFFFB00  }
0x65: {  	_ =	sfence.sel $0x180000  }
0x66: {  	[bflag:$0x0] =	sbarrier.arrive $0xFFFF  }
0x67: {  	p0 =	sne.s32 s1, $0x0;
	_ =	strace $0x9000004D  }
0x68: {  	s0 =	sadd.s32 @!p0 $0x100000, s0;
	[bflag:$0x2] =	sbarrier.arrive $0xFFFF  }
0x69: {  	[sflag:s0] =	ssyncadd.tile.s32 @!p0 $0x1;
	_ =	shalt  }
.Lfunc_end2:
_tile_overlayer_lowered:
.L_overlay_start_2:
0x6a: {  	(tag) =	ssettag $0x2  }
0x6b: {  	s0 =	rddreg [dreg:$0x0];
	s2 =	stileid.u32  }
0x6c: {  	s1 =	rddreg [dreg:$0x1];
	p0 =	sne.s32 s2, $0x0  }
0x6d: {  	s3 =	rddreg [dreg:$0x2];
	[bflag:$0x3] =	sbarrier.arrive $0xFFFF;
	s2 =	simm.s32 @!p0 $0x1C03  }
0x6e: {  	[timem:s3], [sflag:s2] =	dma.local @!p0 [hbm:s0], s1  }
0x6f: {  	s0 =	simm.s32 @!p0 $0x3  }
0x70: {  	_ =	swait.ge @!p0 [sflag:s0], s1  }
0x71: {  	s1 =	ssub.s32 @!p0 $0x0, s1;
	[sflag:s0] =	ssyncset.done @!p0 $0x0  }
0x72: {  	[sflag:s0] =	ssyncadd.s32 @!p0 s1  }
0x73: {  	[bflag:$0x3] =	sbarrier.arrive $0xFFFF  }
0x74: {  	_ =	shalt  }

// kernel: kernel.5.cloned.1.call-start
scs
__scs_entry_jumppad:
0x0: {  	(pc) =	sbr.rel $0x88, $3  }
0x1: {  	(tag) =	ssettag $0x0;
	lr =	simm.s32 $0x1  }
0x2: {  	[smem:$0x3F97] =	sst lr;
	_ =	strace $0xD0000000  }
0x3: {  	_ = 	snop  }
0x4: {  	_ = 	snop  }
0x5: {  	_ = 	snop  }
0x6: {  	_ = 	snop  }
0x7: {  	_ = 	snop  }
__scs_overlays_trampoline_lowered:
0x8: {  	[smem:$0x3FA6] =	sst s0  }
0x9: {  	[smem:$0x3FA7] =	sst s1  }
0xa: {  	[smem:$0x3FA8] =	sst s2  }
0xb: {  	[smem:$0x3FA9] =	sst s3  }
0xc: {  	[smem:$0x3FAA] =	sst s4  }
0xd: {  	[smem:$0x3FAB] =	sst s5  }
0xe: {  	[smem:$0x3FAC] =	sst s6  }
0xf: {  	[smem:$0x3FAD] =	sst s7  }
0x10: {  	[smem:$0x3FAE] =	sst s8  }
0x11: {  	[smem:$0x3FAF] =	sst s9;
	s0 =	simm.s32 @!p0 $0x0  }
0x12: {  	s1 =	sld [smem:$0x3F95];
	s0 =	simm.s32 @p0 $0x1  }
0x13: {  	[smem:$0x3FB0] =	sst s0;
	s0 =	simm.s32 @!p1 $0x0  }
0x14: {  	s2 =	sld [smem:$0x3F94];
	s0 =	simm.s32 @p1 $0x1  }
0x15: {  	[smem:$0x3FB1] =	sst s0;
	s0 =	simm.s32 @!p2 $0x0  }
0x16: {  	s3 =	sld [smem:$0x3FDB];
	s0 =	simm.s32 @p2 $0x1  }
0x17: {  	s4 =	simm.s32 $0x1BF5;
	[smem:$0x3FB3] =	sst s0  }
0x18: {  	s0 =	sld [smem:$0x3F96];
	_ =	swait.ge [sflag:s4], $0x0  }
0x19: {  	s7 =	sld [smem:$0x3F97]  }
0x1a: {  	s8 =	sadd.s32 $0xFFFFE003, lr  }
0x1b: {  	s9 =	sadd.s32 $0xFFFFFEF7, lr;
	s5 =	simm.s32 $0xFFFFFFFF;
	p2 =	slt.u32 s8, $0xFFFFF086  }
0x1c: {  	p1 =	slt.u32 s9, $0xF7A;
	s5 =	simm.s32 @!p2 $0x0  }
0x1d: {  	s5 =	simm.s32 @p1 $0x1;
	p0 =	seq.s32 s7, s2  }
0x1e: {  	s7 =	smul.u32 @!p0 $0xF7A, s2;
	p2 =	seq.s32 @!p0 s5, $0x0  }
0x1f: {  	s9 =	smul.u32 $0xF7A, s1;
	s8 =	simm.s32 @!p0 $0x1BF5;
	p2 =	por !p2, p0  }
0x20: {  	[sflag:s8] =	ssyncset.s32 @!p0 $0xFFFFF086;
	s6 =	sadd.s32 @!p0 s3, s7;
	s7 =	simm.s32 @!p0 $0x108  }
0x21: {  	s3 =	sadd.s32 s3, s9;
	s6 =	sadd.s32 @!p0 $0x88, s6;
	s7 =	simm.s32 @p2 $0x1082  }
0x22: {  	[simem:s7], [sflag:s8] =	dma.local @!p0 [hbm:s6], $0xF7A  }
0x23: {  	s9 =	sor.u32 $0xD0000000, s2;
	s6 =	simm.s32 $0x108;
	_ =	swait.ge @!p0 [sflag:s8], $0x0  }
0x24: {  	s3 =	sadd.s32 $0x88, s3;
	s6 =	simm.s32 @!p1 $0x1082;
	[sflag:s4] =	ssyncset.s32 $0xFFFFF086  }
0x25: {  	[simem:s6], [sflag:s4] =	dma.local [hbm:s3], $0xF7A  }
0x26: {  	[smem:$0x3F97] =	sst s1;
	(tag) =	ssettag s2;
	_ =	strace s9  }
0x27: {  	s1 =	sld [smem:$0x3FA7]  }
0x28: {  	s2 =	sld [smem:$0x3FA8]  }
0x29: {  	s4 =	sld [smem:$0x3FAA]  }
0x2a: {  	p0 =	seq.s32 s5, $0x0;
	s5 =	sld [smem:$0x3FAB]  }
0x2b: {  	s6 =	sld [smem:$0x3FAC]  }
0x2c: {  	s7 =	sld [smem:$0x3FAD]  }
0x2d: {  	s3 =	simm.s32 $0x108;
	s8 =	sld [smem:$0x3FAE]  }
0x2e: {  	s3 =	simm.s32 @!p0 $0x1082;
	s9 =	sld [smem:$0x3FAF]  }
0x2f: {  	lr =	sadd.s32 s0, s3;
	s0 =	sld [smem:$0x3FA6]  }
0x30: {  	s3 =	sld [smem:$0x3FA9]  }
0x31: {  	[smem:$0x3FB2] =	sst s10  }
0x32: {  	s10 =	sld [smem:$0x3FB0];
	_ =	sdelay $0x3  }
0x33: {  	p0 =	seq.s32 s10, $0x1;
	s10 =	sld [smem:$0x3FB2];
	_ =	sdelay $0x3  }
0x34: {  	[smem:$0x3FB2] =	sst s10  }
0x35: {  	s10 =	sld [smem:$0x3FB1];
	_ =	sdelay $0x3  }
0x36: {  	p1 =	seq.s32 s10, $0x1;
	s10 =	sld [smem:$0x3FB2];
	_ =	sdelay $0x3  }
0x37: {  	[smem:$0x3FB2] =	sst s10  }
0x38: {  	s10 =	sld [smem:$0x3FB3]  }
0x39: {  	_ = 	snop;
	(pc) =	sbr.ind lr, $3  }
0x3a: {  	_ = 	snop  }
0x3b: {  	_ = 	snop  }
0x3c: {  	p2 =	seq.s32 s10, $0x1;
	s10 =	sld [smem:$0x3FB2]  }
0x3d: {  	_ =	shalt  }
0x3e: {  	_ =	shalt  }
0x3f: {  	_ =	shalt  }
0x40: {  	_ =	shalt  }
0x41: {  	_ =	shalt  }
0x42: {  	_ =	shalt  }
0x43: {  	_ =	shalt  }
0x44: {  	_ =	shalt  }
0x45: {  	_ =	shalt  }
0x46: {  	_ =	shalt  }
0x47: {  	_ =	shalt  }
0x48: {  	_ =	shalt  }
0x49: {  	_ =	shalt  }
0x4a: {  	_ =	shalt  }
0x4b: {  	_ =	shalt  }
0x4c: {  	_ =	shalt  }
0x4d: {  	_ =	shalt  }
0x4e: {  	_ =	shalt  }
0x4f: {  	_ =	shalt  }
0x50: {  	_ =	shalt  }
0x51: {  	_ =	shalt  }
0x52: {  	_ =	shalt  }
0x53: {  	_ =	shalt  }
0x54: {  	_ =	shalt  }
0x55: {  	_ =	shalt  }
0x56: {  	_ =	shalt  }
0x57: {  	_ =	shalt  }
0x58: {  	_ =	shalt  }
0x59: {  	_ =	shalt  }
0x5a: {  	_ =	shalt  }
0x5b: {  	_ =	shalt  }
0x5c: {  	_ =	shalt  }
0x5d: {  	_ =	shalt  }
0x5e: {  	_ =	shalt  }
0x5f: {  	_ =	shalt  }
0x60: {  	_ =	shalt  }
0x61: {  	_ =	shalt  }
0x62: {  	_ =	shalt  }
0x63: {  	_ =	shalt  }
0x64: {  	_ =	shalt  }
0x65: {  	_ =	shalt  }
0x66: {  	_ =	shalt  }
0x67: {  	_ =	shalt  }
0x68: {  	_ =	shalt  }
0x69: {  	_ =	shalt  }
0x6a: {  	_ =	shalt  }
0x6b: {  	_ =	shalt  }
0x6c: {  	_ =	shalt  }
0x6d: {  	_ =	shalt  }
0x6e: {  	_ =	shalt  }
0x6f: {  	_ =	shalt  }
0x70: {  	_ =	shalt  }
0x71: {  	_ =	shalt  }
0x72: {  	_ =	shalt  }
0x73: {  	_ =	shalt  }
0x74: {  	_ =	shalt  }
0x75: {  	_ =	shalt  }
0x76: {  	_ =	shalt  }
0x77: {  	_ =	shalt  }
0x78: {  	_ =	shalt  }
0x79: {  	_ =	shalt  }
0x7a: {  	_ =	shalt  }
0x7b: {  	_ =	shalt  }
0x7c: {  	_ =	shalt  }
0x7d: {  	_ =	shalt  }
0x7e: {  	_ =	shalt  }
0x7f: {  	_ =	shalt  }
0x80: {  	_ =	shalt  }
0x81: {  	_ =	shalt  }
0x82: {  	_ =	shalt  }
0x83: {  	_ =	shalt  }
0x84: {  	_ =	shalt  }
0x85: {  	_ =	shalt  }
0x86: {  	_ =	shalt  }
0x87: {  	_ =	shalt  }
.Lfunc_end0:
.L_simem_size_0:
called_computation_lowered:
.L_overlay_start_0:
0x88: {  	s2 =	sld [smem:$0x3FD9]  }
0x89: {  	s3 =	sld [smem:$0x3FFE];
	_ =	sdelay $0x1  }
0x8a: {  	s1 =	srdreg.scid  }
0x8b: {  	s0 =	sand.u32 $0x1, s1  }
0x8c: {  	s14 =	sshll.u32 s0, $0xA;
	s2 =	sadd.s32 s3, s2  }
0x8d: {  	s2 =	sadd.s32 s2, s14  }
0x8e: {  	[smem:$0x3FBE] =	sst s2  }
0x8f: {  	_ = 	snop  }
0x90: {  	s2 =	sld [smem:$0x3FD0];
	_ =	sdelay $0x2  }
0x91: {  	s15 =	simm.s32 $0xA;
	s4 =	simm.s32 $0x10  }
0x92: {  	[smem:s4], [sflag:s15] =	dma.local [hbm:s2], $0x1  }
0x93: {  	_ =	swait.eq [sflag:s15], $0x1  }
0x94: {  	[sflag:s15] =	ssyncset.done $0x0  }
0x95: {  	[sflag:s15] =	ssyncadd.s32 $0xFFFFFFFF  }
0x96: {  	s16 =	sld [smem:$0x11];
	(tm) =	ssettm $0x1  }
0x97: {  	s17 =	sld [smem:$0x3FFB];
	_ =	sdelay $0x3  }
0x98: {  	_ =	strace s17  }
0x99: {  	s3 =	sld [smem:$0x3FFC];
	_ =	sdelay $0x3  }
0x9a: {  	_ =	strace s3  }
0x9b: {  	s3 =	sld [smem:$0x3FFD];
	_ =	sdelay $0x3  }
0x9c: {  	_ =	strace s3  }
0x9d: {  	_ =	strace $0x8FFFFFFF  }
0x9e: {  	s18 =	sld [smem:$0x3FDB];
	_ =	sdelay $0x1  }
0x9f: {  	s19 =	simm.s32 $_scs_section_size  }
0xa0: {  	s5 =	simm.s32 $_size__tile_overlayer_lowered;
	s6 =	simm.s32 $_tile_overlayer_lowered  }
0xa1: {  	s22 =	simm.s32 $0x1BFF;
	s21 =	sshll.u32 s6, $0x1;
	s3 =	sadd.s32 s19, s18  }
0xa2: {  	s7 =	simm.s32 $0x0;
	s20 =	sshll.u32 s5, $0x1;
	s5 =	sadd.s32 s21, s3  }
0xa3: {  	[timem:s7], [sflag:s22] =	dma.local [hbm:s5], s20  }
0xa4: {  	_ =	swait.ge [sflag:s22], s20  }
0xa5: {  	s4 =	ssub.s32 $0x0, s20;
	[sflag:s22] =	ssyncset.done $0x0  }
0xa6: {  	[sflag:s22] =	ssyncadd.s32 s4;
	_ =	sdelay $0x1  }
0xa7: {  	s23 =	simm.s32 $0x1B8B  }
0xa8: {  	_ =	swait.ge [sflag:s23], $0x1  }
0xa9: {  	[sflag:s23] =	ssyncset.done $0x0  }
0xaa: {  	s25 =	simm.s32 $0x1B8E;
	s24 =	sld [smem:$0x3FFE];
	[sflag:s23] =	ssyncadd.s32 $0xFFFFFFFF  }
0xab: {  	s26 =	simm.s32 $execute0_lowered;
	[smem:$0x3FD2] =	sst s25  }
0xac: {  	s5 =	sshll.u32 s26, $0x1;
	_ =	strace $0x80000046;
	[dreg:$0x1] =	wrdreg $0xFFFFFFFF  }
0xad: {  	s28 =	simm.s32 $_size_execute0_lowered;
	s3 =	sadd.s32 s3, s5;
	[dreg:$0x0] =	wrdreg $0x0  }
0xae: {  	s5 =	sshll.u32 s28, $0x1;
	[dreg:$0x2] =	wrdreg s3  }
0xaf: {  	[dreg:$0x3] =	wrdreg s5  }
0xb0: {  	[dreg:$0x4] =	wrdreg $0xC0  }
0xb1: {  	_ =	task [dreg:s7], $0x5FFFF  }
0xb2: {  	[dreg:$0x1] =	wrdreg $0xFFFFFFFF  }
0xb3: {  	[dreg:$0x0] =	wrdreg $0x60  }
0xb4: {  	[dreg:$0x2] =	wrdreg s24  }
0xb5: {  	[dreg:$0x3] =	wrdreg s16  }
0xb6: {  	[dreg:$0x4] =	wrdreg $0x2EE00  }
0xb7: {  	[dreg:$0x5] =	wrdreg $0x9  }
0xb8: {  	_ =	task.clear_ibuf [dreg:s7], $0x6FFFF;
	_ =	strace $0x90000046  }
0xb9: {  	s29 =	simm.s32 $0x9;
	_ =	strace $0x80000048  }
0xba: {  	_ =	swait.ge [sflag:s29], $0x1  }
0xbb: {  	[sflag:s29] =	ssyncadd.s32 $0xFFFFFFFF  }
0xbc: {  	_ =	strace $0x90000048  }
0xbd: {  	_ =	sfence  }
0xbe: {  	s30 =	sld [smem:$0x0];
	_ =	sdelay $0x2  }
0xbf: {  	s31 =	sshll.u32 s1, $0xD;
	s1 =	sshrl.u32 s1, $0x2  }
0xc0: {  	s3 =	sand.u32 $0x4000, s31;
	s1 =	sadd.s32 s1, s30  }
0xc1: {  	s0 =	sor.u32 s3, s0;
	s1 =	sshll.u32 s1, $0x11  }
0xc2: {  	s0 =	sor.u32 s1, s0  }
0xc3: {  	s0 =	sadd.s32 $0x8F2B, s0  }
0xc4: {  	[sflag:s0] =	ssyncadd.remote.s32 $0x1  }
0xc5: {  	_ =	sfence.sel $0xFFFF  }
0xc6: {  	[dreg:$0x0] =	wrdreg $0xFFFFFFFF;
	(pc) =	sbr.abs _section_cstart, $3  }
0xc7: {  	[dreg:$0x1] =	wrdreg $0xFFFFFFFF  }
0xc8: {  	_ =	task.clear_ibuf [dreg:s7], $0x2FFFF;
	_ =	strace $0x9FFFFFFF  }
0xc9: {  	(tm) =	ssettm $0x7FFFFFFF  }
tec
execute0_lowered:
.L_overlay_start_1:
0x0: {  	(tag) =	ssettag $0x1  }
0x1: {  	s6 =	rddreg [dreg:$0x0]  }
0x2: {  	s2 =	rddreg [dreg:$0x1]  }
0x3: {  	s3 =	rddreg [dreg:$0x2]  }
0x4: {  	s0 =	rddreg [dreg:$0x3];
	s1 =	stileid.u32  }
0x5: {  	s4 =	simm.s32 $0x0;
	s7 =	srdreg.scid;
	s13 =	simm.s32 $0x64  }
0x6: {  	s14 =	simm.s32 $0x0;
	s5 =	smul.u32 $0x2800, s1;
	[smem:$0x7FF] =	sst s4  }
0x7: {  	s7 =	sand.u32 $0x1, s7;
	s8 =	smul.u32 $0x500, s1;
	s10 =	sshll.u32 s1, $0x1  }
0x8: {  	s31 =	sshll.u32 s1, $0x6;
	_ =	strace $0x80000047;
	s9 =	smul.u32 $0x5000, s7  }
0x9: {  	s12 =	ssub.s32 $0x2, s7;
	s7 =	sor.u32 s7, s10;
	s10 =	simm.s32 $0x1  }
0xa: {  	s11 =	sshrl.u32 s5, $0x3;
	s28 =	sshrl.u32 s12, $0x1;
	s7 =	smul.u32 $0x514, s7  }
0xb: {  	s30 =	sadd.s32 s5, s3;
	s8 =	sadd.s32 s8, s9;
	s29 =	sadd.s32 s11, s6  }
0xc: {  	s9 =	ssub.s32 s12, s28;
	s11 =	sor.u32 $0x1C01, s31;
	s12 =	sshrl.u32 s30, $0x3  }
0xd: {  	s8 =	sadd.s32 s8, s6;
	s5 =	sadd.s32 $0xA400, s29;
	s6 =	sadd.s32 s6, s7  }
0xe: {  	s7 =	sadd.s32 $0xF400, s8;
	s8 =	smax.u32 s9, $0x1;
	s9 =	simm.s32 $0x28A0  }
.LBB2_1:
0xf: {  	[tilespmem:s9], [sflag:$0x1] =	stream.linear.gather [hbm4b:s2+s4], $0x640, $0x38;
	[tilespmem:$0x56E0] =	vst v63  }
0x10: {  	_ =	swait.ge [sflag:s10], $0x640  }
0x11: {  	[sflag:s10] =	ssyncset.done $0x0  }
0x12: {  	[sflag:s10] =	ssyncadd.s32 $0xFFFFF9C0  }
0x13: {  	[spmem:s12], [sflag:s11] =	dma.local [hbm:s5], $0x500  }
0x14: {  	_ =	swait.ge [sflag:s10], $0x500  }
0x15: {  	[sflag:s10] =	ssyncset.done $0x0  }
0x16: {  	[sflag:s10] =	ssyncadd.s32 $0xFFFFFB00  }
0x17: {  	[tilespmem:s4], [sflag:$0x1] =	stream.linear.gather [hbm4b:s6+s4], $0x28A0, $0x38;
	[tilespmem:$0x56E0] =	vst v63  }
0x18: {  	_ =	swait.ge [sflag:s10], $0x28A0  }
0x19: {  	[sflag:s10] =	ssyncset.done $0x0  }
0x1a: {  	[sflag:s10] =	ssyncadd.s32 $0xFFFFD760  }
0x1b: {  	s15 =	simm.s32 $0x0;
	[bflag:$0x0] =	sbarrier.arrive $0xFFFF  }
0x1c: {  	[spmem:s3] =	stream.indirect.scatter.add.f32 [tilespmem:s9], [sflag:$0x1], $0x10, s15, s13, $0xb8;
	[tilespmem:$0x56E0] =	vst v63  }
0x1d: {  	_ =	swait.ge [sflag:s10], $0x640  }
0x1e: {  	s15 =	simm.s32 $0x1A0;
	[sflag:s10] =	ssyncset.done $0x0  }
.LBB2_2:
0x1f: {  	s16 =	sshra.s32 s15, $0x2;
	[sflag:s10] =	ssyncadd.s32 $0xFFFFF9C0;
	p0 =	sne.s32 s15, $0xA0E0  }
0x20: {  	[spmem:s3] =	stream.indirect.scatter.add.f32 [tilespmem:s9], [sflag:$0x1], $0x10, s16, s13, $0xb8;
	[tilespmem:$0x56E0] =	vst v63  }
.Ltmp0:
0x21: {  	_ = 	snop;
	(pc) =	sbr.rel @p0 .LBB2_2-.Ltmp0, $4  }
0x22: {  	_ = 	snop  }
0x23: {  	s15 =	sadd.s32 $0x1A0, s15  }
0x24: {  	_ =	swait.ge [sflag:s10], $0x640  }
0x25: {  	[sflag:s10] =	ssyncset.done $0x0  }
0x26: {  	s14 =	sadd.s32 $0x1, s14  }
0x27: {  	[sflag:s10] =	ssyncadd.s32 $0xFFFFF9C0;
	p0 =	sne.s32 s14, s8  }
.Ltmp1:
0x28: {  	[bflag:$0x0] =	sbarrier.arrive $0xFFFF;
	(pc) =	sbr.rel @p0 .LBB2_1-.Ltmp1, $4  }
0x29: {  	[hbm:s7], [sflag:s11] =	dma.local [spmem:s12], $0x500  }
0x2a: {  	_ =	swait.ge [sflag:s10], $0x500  }
0x2b: {  	[sflag:s10] =	ssyncset.done $0x0  }
0x2c: {  	[sflag:s10] =	ssyncadd.s32 $0xFFFFFB00  }
0x2d: {  	_ =	sfence.sel $0x180000  }
0x2e: {  	[bflag:$0x0] =	sbarrier.arrive $0xFFFF  }
0x2f: {  	p0 =	sne.s32 s1, $0x0;
	_ =	strace $0x90000047  }
0x30: {  	s0 =	sadd.s32 @!p0 $0x100000, s0;
	[bflag:$0x2] =	sbarrier.arrive $0xFFFF  }
0x31: {  	[sflag:s0] =	ssyncadd.tile.s32 @!p0 $0x1;
	_ =	shalt  }
.Lfunc_end2:
_tile_overlayer_lowered:
.L_overlay_start_2:
0x32: {  	(tag) =	ssettag $0x2  }
0x33: {  	s0 =	rddreg [dreg:$0x0];
	s2 =	stileid.u32  }
0x34: {  	s1 =	rddreg [dreg:$0x1];
	p0 =	sne.s32 s2, $0x0  }
0x35: {  	s3 =	rddreg [dreg:$0x2];
	[bflag:$0x3] =	sbarrier.arrive $0xFFFF;
	s2 =	simm.s32 @!p0 $0x1C01  }
0x36: {  	[timem:s3], [sflag:s2] =	dma.local @!p0 [hbm:s0], s1  }
0x37: {  	s0 =	simm.s32 @!p0 $0x1  }
0x38: {  	_ =	swait.ge @!p0 [sflag:s0], s1  }
0x39: {  	s1 =	ssub.s32 @!p0 $0x0, s1;
	[sflag:s0] =	ssyncset.done @!p0 $0x0  }
0x3a: {  	[sflag:s0] =	ssyncadd.s32 @!p0 s1  }
0x3b: {  	[bflag:$0x3] =	sbarrier.arrive $0xFFFF  }
0x3c: {  	_ =	shalt  }

// kernel: kernel.8.cloned.1.call-start
scs
__scs_entry_jumppad:
0x0: {  	(pc) =	sbr.rel $0x88, $3  }
0x1: {  	(tag) =	ssettag $0x0;
	lr =	simm.s32 $0x1  }
0x2: {  	[smem:$0x3F97] =	sst lr;
	_ =	strace $0xD0000000  }
0x3: {  	_ = 	snop  }
0x4: {  	_ = 	snop  }
0x5: {  	_ = 	snop  }
0x6: {  	_ = 	snop  }
0x7: {  	_ = 	snop  }
__scs_overlays_trampoline_lowered:
0x8: {  	[smem:$0x3FA6] =	sst s0  }
0x9: {  	[smem:$0x3FA7] =	sst s1  }
0xa: {  	[smem:$0x3FA8] =	sst s2  }
0xb: {  	[smem:$0x3FA9] =	sst s3  }
0xc: {  	[smem:$0x3FAA] =	sst s4  }
0xd: {  	[smem:$0x3FAB] =	sst s5  }
0xe: {  	[smem:$0x3FAC] =	sst s6  }
0xf: {  	[smem:$0x3FAD] =	sst s7  }
0x10: {  	[smem:$0x3FAE] =	sst s8  }
0x11: {  	[smem:$0x3FAF] =	sst s9;
	s0 =	simm.s32 @!p0 $0x0  }
0x12: {  	s1 =	sld [smem:$0x3F95];
	s0 =	simm.s32 @p0 $0x1  }
0x13: {  	[smem:$0x3FB0] =	sst s0;
	s0 =	simm.s32 @!p1 $0x0  }
0x14: {  	s2 =	sld [smem:$0x3F94];
	s0 =	simm.s32 @p1 $0x1  }
0x15: {  	[smem:$0x3FB1] =	sst s0;
	s0 =	simm.s32 @!p2 $0x0  }
0x16: {  	s3 =	sld [smem:$0x3FDB];
	s0 =	simm.s32 @p2 $0x1  }
0x17: {  	s4 =	simm.s32 $0x1BF5;
	[smem:$0x3FB3] =	sst s0  }
0x18: {  	s0 =	sld [smem:$0x3F96];
	_ =	swait.ge [sflag:s4], $0x0  }
0x19: {  	s7 =	sld [smem:$0x3F97]  }
0x1a: {  	s8 =	sadd.s32 $0xFFFFE003, lr  }
0x1b: {  	s9 =	sadd.s32 $0xFFFFFEF7, lr;
	s5 =	simm.s32 $0xFFFFFFFF;
	p2 =	slt.u32 s8, $0xFFFFF086  }
0x1c: {  	p1 =	slt.u32 s9, $0xF7A;
	s5 =	simm.s32 @!p2 $0x0  }
0x1d: {  	s5 =	simm.s32 @p1 $0x1;
	p0 =	seq.s32 s7, s2  }
0x1e: {  	s7 =	smul.u32 @!p0 $0xF7A, s2;
	p2 =	seq.s32 @!p0 s5, $0x0  }
0x1f: {  	s9 =	smul.u32 $0xF7A, s1;
	s8 =	simm.s32 @!p0 $0x1BF5;
	p2 =	por !p2, p0  }
0x20: {  	[sflag:s8] =	ssyncset.s32 @!p0 $0xFFFFF086;
	s6 =	sadd.s32 @!p0 s3, s7;
	s7 =	simm.s32 @!p0 $0x108  }
0x21: {  	s3 =	sadd.s32 s3, s9;
	s6 =	sadd.s32 @!p0 $0x88, s6;
	s7 =	simm.s32 @p2 $0x1082  }
0x22: {  	[simem:s7], [sflag:s8] =	dma.local @!p0 [hbm:s6], $0xF7A  }
0x23: {  	s9 =	sor.u32 $0xD0000000, s2;
	s6 =	simm.s32 $0x108;
	_ =	swait.ge @!p0 [sflag:s8], $0x0  }
0x24: {  	s3 =	sadd.s32 $0x88, s3;
	s6 =	simm.s32 @!p1 $0x1082;
	[sflag:s4] =	ssyncset.s32 $0xFFFFF086  }
0x25: {  	[simem:s6], [sflag:s4] =	dma.local [hbm:s3], $0xF7A  }
0x26: {  	[smem:$0x3F97] =	sst s1;
	(tag) =	ssettag s2;
	_ =	strace s9  }
0x27: {  	s1 =	sld [smem:$0x3FA7]  }
0x28: {  	s2 =	sld [smem:$0x3FA8]  }
0x29: {  	s4 =	sld [smem:$0x3FAA]  }
0x2a: {  	p0 =	seq.s32 s5, $0x0;
	s5 =	sld [smem:$0x3FAB]  }
0x2b: {  	s6 =	sld [smem:$0x3FAC]  }
0x2c: {  	s7 =	sld [smem:$0x3FAD]  }
0x2d: {  	s3 =	simm.s32 $0x108;
	s8 =	sld [smem:$0x3FAE]  }
0x2e: {  	s3 =	simm.s32 @!p0 $0x1082;
	s9 =	sld [smem:$0x3FAF]  }
0x2f: {  	lr =	sadd.s32 s0, s3;
	s0 =	sld [smem:$0x3FA6]  }
0x30: {  	s3 =	sld [smem:$0x3FA9]  }
0x31: {  	[smem:$0x3FB2] =	sst s10  }
0x32: {  	s10 =	sld [smem:$0x3FB0];
	_ =	sdelay $0x3  }
0x33: {  	p0 =	seq.s32 s10, $0x1;
	s10 =	sld [smem:$0x3FB2];
	_ =	sdelay $0x3  }
0x34: {  	[smem:$0x3FB2] =	sst s10  }
0x35: {  	s10 =	sld [smem:$0x3FB1];
	_ =	sdelay $0x3  }
0x36: {  	p1 =	seq.s32 s10, $0x1;
	s10 =	sld [smem:$0x3FB2];
	_ =	sdelay $0x3  }
0x37: {  	[smem:$0x3FB2] =	sst s10  }
0x38: {  	s10 =	sld [smem:$0x3FB3]  }
0x39: {  	_ = 	snop;
	(pc) =	sbr.ind lr, $3  }
0x3a: {  	_ = 	snop  }
0x3b: {  	_ = 	snop  }
0x3c: {  	p2 =	seq.s32 s10, $0x1;
	s10 =	sld [smem:$0x3FB2]  }
0x3d: {  	_ =	shalt  }
0x3e: {  	_ =	shalt  }
0x3f: {  	_ =	shalt  }
0x40: {  	_ =	shalt  }
0x41: {  	_ =	shalt  }
0x42: {  	_ =	shalt  }
0x43: {  	_ =	shalt  }
0x44: {  	_ =	shalt  }
0x45: {  	_ =	shalt  }
0x46: {  	_ =	shalt  }
0x47: {  	_ =	shalt  }
0x48: {  	_ =	shalt  }
0x49: {  	_ =	shalt  }
0x4a: {  	_ =	shalt  }
0x4b: {  	_ =	shalt  }
0x4c: {  	_ =	shalt  }
0x4d: {  	_ =	shalt  }
0x4e: {  	_ =	shalt  }
0x4f: {  	_ =	shalt  }
0x50: {  	_ =	shalt  }
0x51: {  	_ =	shalt  }
0x52: {  	_ =	shalt  }
0x53: {  	_ =	shalt  }
0x54: {  	_ =	shalt  }
0x55: {  	_ =	shalt  }
0x56: {  	_ =	shalt  }
0x57: {  	_ =	shalt  }
0x58: {  	_ =	shalt  }
0x59: {  	_ =	shalt  }
0x5a: {  	_ =	shalt  }
0x5b: {  	_ =	shalt  }
0x5c: {  	_ =	shalt  }
0x5d: {  	_ =	shalt  }
0x5e: {  	_ =	shalt  }
0x5f: {  	_ =	shalt  }
0x60: {  	_ =	shalt  }
0x61: {  	_ =	shalt  }
0x62: {  	_ =	shalt  }
0x63: {  	_ =	shalt  }
0x64: {  	_ =	shalt  }
0x65: {  	_ =	shalt  }
0x66: {  	_ =	shalt  }
0x67: {  	_ =	shalt  }
0x68: {  	_ =	shalt  }
0x69: {  	_ =	shalt  }
0x6a: {  	_ =	shalt  }
0x6b: {  	_ =	shalt  }
0x6c: {  	_ =	shalt  }
0x6d: {  	_ =	shalt  }
0x6e: {  	_ =	shalt  }
0x6f: {  	_ =	shalt  }
0x70: {  	_ =	shalt  }
0x71: {  	_ =	shalt  }
0x72: {  	_ =	shalt  }
0x73: {  	_ =	shalt  }
0x74: {  	_ =	shalt  }
0x75: {  	_ =	shalt  }
0x76: {  	_ =	shalt  }
0x77: {  	_ =	shalt  }
0x78: {  	_ =	shalt  }
0x79: {  	_ =	shalt  }
0x7a: {  	_ =	shalt  }
0x7b: {  	_ =	shalt  }
0x7c: {  	_ =	shalt  }
0x7d: {  	_ =	shalt  }
0x7e: {  	_ =	shalt  }
0x7f: {  	_ =	shalt  }
0x80: {  	_ =	shalt  }
0x81: {  	_ =	shalt  }
0x82: {  	_ =	shalt  }
0x83: {  	_ =	shalt  }
0x84: {  	_ =	shalt  }
0x85: {  	_ =	shalt  }
0x86: {  	_ =	shalt  }
0x87: {  	_ =	shalt  }
.Lfunc_end0:
.L_simem_size_0:
called_computation.1_lowered:
.L_overlay_start_0:
0x88: {  	s2 =	sld [smem:$0x3FD9]  }
0x89: {  	s3 =	sld [smem:$0x3FFE];
	_ =	sdelay $0x1  }
0x8a: {  	s1 =	srdreg.scid  }
0x8b: {  	s0 =	sand.u32 $0x1, s1  }
0x8c: {  	s16 =	sshll.u32 s0, $0xA;
	s2 =	sadd.s32 s3, s2  }
0x8d: {  	s2 =	sadd.s32 s2, s16  }
0x8e: {  	[smem:$0x3FBE] =	sst s2  }
0x8f: {  	_ = 	snop  }
0x90: {  	(tm) =	ssettm $0x1  }
0x91: {  	s17 =	sld [smem:$0x3FFB];
	_ =	sdelay $0x3  }
0x92: {  	_ =	strace s17  }
0x93: {  	s2 =	sld [smem:$0x3FFC];
	_ =	sdelay $0x3  }
0x94: {  	_ =	strace s2  }
0x95: {  	s2 =	sld [smem:$0x3FFD];
	_ =	sdelay $0x3  }
0x96: {  	_ =	strace s2  }
0x97: {  	_ =	strace $0x8FFFFFFF  }
0x98: {  	s18 =	sld [smem:$0x3FDB];
	_ =	sdelay $0x1  }
0x99: {  	s19 =	simm.s32 $_scs_section_size  }
0x9a: {  	s4 =	simm.s32 $_size__tile_overlayer_lowered;
	s5 =	simm.s32 $_tile_overlayer_lowered  }
0x9b: {  	s22 =	simm.s32 $0x1BFF;
	s21 =	sshll.u32 s5, $0x1;
	s2 =	sadd.s32 s19, s18  }
0x9c: {  	s6 =	simm.s32 $0x0;
	s20 =	sshll.u32 s4, $0x1;
	s4 =	sadd.s32 s21, s2  }
0x9d: {  	[timem:s6], [sflag:s22] =	dma.local [hbm:s4], s20  }
0x9e: {  	_ =	swait.ge [sflag:s22], s20  }
0x9f: {  	s3 =	ssub.s32 $0x0, s20;
	[sflag:s22] =	ssyncset.done $0x0  }
0xa0: {  	[sflag:s22] =	ssyncadd.s32 s3;
	_ =	sdelay $0x1  }
0xa1: {  	s23 =	simm.s32 $0x1B8B  }
0xa2: {  	_ =	swait.ge [sflag:s23], $0x1  }
0xa3: {  	[sflag:s23] =	ssyncset.done $0x0  }
0xa4: {  	s25 =	simm.s32 $0x1B8E;
	s24 =	sld [smem:$0x3FFE];
	[sflag:s23] =	ssyncadd.s32 $0xFFFFFFFF  }
0xa5: {  	s26 =	simm.s32 $execute0_lowered;
	[smem:$0x3FD2] =	sst s25  }
0xa6: {  	s4 =	sshll.u32 s26, $0x1;
	_ =	strace $0x80000049;
	[dreg:$0x1] =	wrdreg $0xFFFFFFFF  }
0xa7: {  	s28 =	simm.s32 $_size_execute0_lowered;
	s2 =	sadd.s32 s2, s4;
	[dreg:$0x0] =	wrdreg $0x0  }
0xa8: {  	s4 =	sshll.u32 s28, $0x1;
	[dreg:$0x2] =	wrdreg s2  }
0xa9: {  	[dreg:$0x3] =	wrdreg s4  }
0xaa: {  	[dreg:$0x4] =	wrdreg $0xC0  }
0xab: {  	_ =	task [dreg:s6], $0x5FFFF  }
0xac: {  	[dreg:$0x1] =	wrdreg $0xFFFFFFFF  }
0xad: {  	[dreg:$0x0] =	wrdreg $0x60  }
0xae: {  	[dreg:$0x2] =	wrdreg s24  }
0xaf: {  	[dreg:$0x3] =	wrdreg $0xB5400  }
0xb0: {  	[dreg:$0x4] =	wrdreg $0x9  }
0xb1: {  	_ =	task.clear_ibuf [dreg:s6], $0x5FFFF;
	_ =	strace $0x90000049  }
0xb2: {  	s29 =	simm.s32 $0x9;
	_ =	strace $0x8000004B  }
0xb3: {  	_ =	swait.ge [sflag:s29], $0x1  }
0xb4: {  	[sflag:s29] =	ssyncadd.s32 $0xFFFFFFFF  }
0xb5: {  	_ =	strace $0x9000004B  }
0xb6: {  	_ =	sfence  }
0xb7: {  	s30 =	sld [smem:$0x0];
	_ =	sdelay $0x2  }
0xb8: {  	s31 =	sshll.u32 s1, $0xD;
	s1 =	sshrl.u32 s1, $0x2  }
0xb9: {  	s3 =	sand.u32 $0x4000, s31;
	s1 =	sadd.s32 s1, s30  }
0xba: {  	s0 =	sor.u32 s3, s0;
	s1 =	sshll.u32 s1, $0x11  }
0xbb: {  	s0 =	sor.u32 s1, s0  }
0xbc: {  	s0 =	sadd.s32 $0x8F2B, s0  }
0xbd: {  	[sflag:s0] =	ssyncadd.remote.s32 $0x1  }
0xbe: {  	_ =	sfence.sel $0xFFFF  }
0xbf: {  	[dreg:$0x0] =	wrdreg $0xFFFFFFFF;
	(pc) =	sbr.abs _section_cstart, $3  }
0xc0: {  	[dreg:$0x1] =	wrdreg $0xFFFFFFFF  }
0xc1: {  	_ =	task.clear_ibuf [dreg:s6], $0x2FFFF;
	_ =	strace $0x9FFFFFFF  }
0xc2: {  	(tm) =	ssettm $0x7FFFFFFF  }
0xc3: {  	_ =	shalt  }
tec
execute0_lowered:
.L_overlay_start_1:
0x0: {  	(tag) =	ssettag $0x1  }
0x1: {  	s7 =	rddreg [dreg:$0x0]  }
0x2: {  	s2 =	rddreg [dreg:$0x1]  }
0x3: {  	s0 =	rddreg [dreg:$0x2];
	s1 =	stileid.u32  }
0x4: {  	s3 =	simm.s32 $0x0;
	s4 =	srdreg.scid;
	s14 =	simm.s32 $0x64  }
0x5: {  	s15 =	simm.s32 $0x5140;
	s16 =	simm.s32 $0x8340;
	s17 =	simm.s32 $0x1  }
0x6: {  	s18 =	simm.s32 $0x2;
	s19 =	simm.s32 $0x2838;
	s20 =	simm.s32 $0x5070  }
0x7: {  	s21 =	simm.s32 $0x50D8;
	s22 =	simm.s32 $0x0;
	s5 =	smul.u32 $0x14000, s1  }
0x8: {  	[smem:$0x7FF] =	sst s3;
	s6 =	sand.u32 $0x1, s4;
	s8 =	smul.u32 $0x2800, s1  }
0x9: {  	s4 =	sadd.s32 $0x23800, s7;
	s11 =	sshll.u32 s1, $0x1;
	s31 =	sshll.u32 s1, $0x6  }
0xa: {  	_ =	strace $0x8000004A;
	s10 =	smul.u32 $0x28000, s6;
	s28 =	ssub.s32 $0x2, s6  }
0xb: {  	s6 =	sor.u32 s6, s11;
	s9 =	sshrl.u32 s5, $0x3;
	s30 =	sshrl.u32 s28, $0x1  }
0xc: {  	s12 =	smul.u32 $0x514, s6;
	s13 =	sadd.s32 s5, s2;
	s6 =	sor.u32 $0x1C03, s31  }
0xd: {  	s9 =	sadd.s32 s9, s7;
	s8 =	sadd.s32 s8, s10;
	s10 =	ssub.s32 s28, s30  }
0xe: {  	s11 =	sshrl.u32 s13, $0x3;
	s13 =	simm.s32 $0x28A0;
	s29 =	sadd.s32 s8, s7  }
0xf: {  	s5 =	sadd.s32 $0x4AA00, s9;
	s7 =	sadd.s32 s7, s12;
	s10 =	smax.u32 s10, $0x1  }
0x10: {  	s12 =	simm.s32 $0x3;
	s8 =	sadd.s32 $0x19400, s7;
	s9 =	sadd.s32 $0x72A00, s29  }
.LBB2_1:
0x11: {  	[spmem:s11], [sflag:s6] =	dma.local [hbm:s5], $0x2800  }
0x12: {  	_ =	swait.ge [sflag:s12], $0x2800  }
0x13: {  	[sflag:s12] =	ssyncset.done $0x0  }
0x14: {  	[sflag:s12] =	ssyncadd.s32 $0xFFFFD800  }
0x15: {  	[tilespmem:s3], [sflag:$0x3] =	stream.linear.gather [hbm4b:s8+s3], $0x28A0, $0x38;
	[tilespmem:$0x1F540] =	vst v63  }
0x16: {  	_ =	swait.ge [sflag:s12], $0x28A0  }
0x17: {  	[sflag:s12] =	ssyncset.done $0x0  }
0x18: {  	[sflag:s12] =	ssyncadd.s32 $0xFFFFD760  }
0x19: {  	[tilespmem:s13], [sflag:$0x3] =	stream.linear.gather [hbm4b:s7+s3], $0x28A0, $0x38;
	[tilespmem:$0x1F540] =	vst v63  }
0x1a: {  	_ =	swait.ge [sflag:s12], $0x28A0  }
0x1b: {  	[sflag:s12] =	ssyncset.done $0x0  }
0x1c: {  	[sflag:s12] =	ssyncadd.s32 $0xFFFFD760  }
0x1d: {  	[bflag:$0x0] =	sbarrier.arrive $0xFFFF  }
0x1e: {  	[tilespmem:s15], [sflag:$0x1] =	stream.indirect.gather [hbm4b:s4+s14], $0x80, s3, s14, $0xb8;
	[tilespmem:$0x1F540] =	vst v63  }
0x1f: {  	s23 =	simm.s32 $0x68  }
0x20: {  	[tilespmem:s16], [sflag:$0x2] =	stream.indirect.gather [hbm4b:s4+s14], $0x80, s23, s14, $0xb8;
	[tilespmem:$0x1F540] =	vst v63  }
0x21: {  	_ =	swait.ge [sflag:s17], $0x3200  }
0x22: {  	[sflag:s17] =	ssyncset.done $0x0  }
0x23: {  	s29 =	simm.s32 $0x28A0;
	[sflag:s17] =	ssyncadd.s32 $0xFFFFCE00  }
0x24: {  	[spmem:s2] =	stream.indirect.scatter.add.f32 [tilespmem:s15], [sflag:$0x3], $0x80, s29, s14, $0xb8;
	[tilespmem:$0x1F540] =	vst v63  }
0x25: {  	_ =	swait.ge [sflag:s12], $0x3200  }
0x26: {  	[sflag:s12] =	ssyncset.done $0x0  }
0x27: {  	s30 =	simm.s32 $0xD0;
	[sflag:s12] =	ssyncadd.s32 $0xFFFFCE00  }
0x28: {  	[tilespmem:s15], [sflag:$0x1] =	stream.indirect.gather [hbm4b:s4+s14], $0x80, s30, s14, $0xb8;
	[tilespmem:$0x1F540] =	vst v63  }
0x29: {  	_ =	swait.ge [sflag:s18], $0x3200  }
0x2a: {  	[sflag:s18] =	ssyncset.done $0x0  }
0x2b: {  	s31 =	simm.s32 $0x2908;
	[sflag:s18] =	ssyncadd.s32 $0xFFFFCE00  }
0x2c: {  	[spmem:s2] =	stream.indirect.scatter.add.f32 [tilespmem:s16], [sflag:$0x3], $0x80, s31, s14, $0xb8;
	[tilespmem:$0x1F540] =	vst v63  }
0x2d: {  	_ =	swait.ge [sflag:s12], $0x3200  }
0x2e: {  	s24 =	simm.s32 $0x680;
	s23 =	simm.s32 $0xD0;
	[sflag:s12] =	ssyncset.done $0x0  }
.LBB2_2:
0x2f: {  	s25 =	sadd.s32 $0x68, s23  }
0x30: {  	[sflag:s12] =	ssyncadd.s32 $0xFFFFCE00;
	s26 =	smov.u32 s24;
	s28 =	sadd.s32 $0x340, s24  }
0x31: {  	[tilespmem:s16], [sflag:$0x2] =	stream.indirect.gather [hbm4b:s4+s14], $0x80, s25, s14, $0xb8;
	[tilespmem:$0x1F540] =	vst v63  }
0x32: {  	p0 =	sne.s32 s24, $0x9C00;
	_ =	swait.ge [sflag:s17], $0x3200  }
0x33: {  	[sflag:s17] =	ssyncset.done $0x0  }
0x34: {  	s24 =	sadd.s32 $0x28A0, s23;
	[sflag:s17] =	ssyncadd.s32 $0xFFFFCE00  }
0x35: {  	[spmem:s2] =	stream.indirect.scatter.add.f32 [tilespmem:s15], [sflag:$0x3], $0x80, s24, s14, $0xb8;
	[tilespmem:$0x1F540] =	vst v63  }
0x36: {  	_ =	swait.ge [sflag:s12], $0x3200  }
0x37: {  	[sflag:s12] =	ssyncset.done $0x0  }
0x38: {  	s24 =	sadd.s32 $0xD0, s23;
	[sflag:s12] =	ssyncadd.s32 $0xFFFFCE00  }
0x39: {  	[tilespmem:s15], [sflag:$0x1] =	stream.indirect.gather [hbm4b:s4+s14], $0x80, s24, s14, $0xb8;
	[tilespmem:$0x1F540] =	vst v63  }
0x3a: {  	_ =	swait.ge [sflag:s18], $0x3200  }
.Ltmp0:
0x3b: {  	[sflag:s18] =	ssyncset.done $0x0;
	(pc) =	sbr.rel @p0 .LBB2_2-.Ltmp0, $4  }
0x3c: {  	s23 =	sadd.s32 $0x2908, s23;
	[sflag:s18] =	ssyncadd.s32 $0xFFFFCE00  }
0x3d: {  	[spmem:s2] =	stream.indirect.scatter.add.f32 [tilespmem:s16], [sflag:$0x3], $0x80, s23, s14, $0xb8;
	[tilespmem:$0x1F540] =	vst v63  }
0x3e: {  	_ =	swait.ge [sflag:s12], $0x3200  }
0x3f: {  	s24 =	smov.u32 s28;
	s23 =	sshra.s32 s26, $0x2;
	[sflag:s12] =	ssyncset.done $0x0  }
0x40: {  	s24 =	sadd.s32 $0x68, s23;
	[sflag:s12] =	ssyncadd.s32 $0xFFFFCE00  }
0x41: {  	[tilespmem:s16], [sflag:$0x2] =	stream.indirect.gather [hbm4b:s4+s14], $0x80, s24, s14, $0xb8;
	[tilespmem:$0x1F540] =	vst v63  }
0x42: {  	_ =	swait.ge [sflag:s17], $0x3200  }
0x43: {  	[sflag:s17] =	ssyncset.done $0x0  }
0x44: {  	s29 =	sadd.s32 $0x28A0, s23;
	[sflag:s17] =	ssyncadd.s32 $0xFFFFCE00  }
0x45: {  	[spmem:s2] =	stream.indirect.scatter.add.f32 [tilespmem:s15], [sflag:$0x3], $0x80, s29, s14, $0xb8;
	[tilespmem:$0x1F540] =	vst v63  }
0x46: {  	_ =	swait.ge [sflag:s12], $0x3200  }
0x47: {  	[sflag:s12] =	ssyncset.done $0x0  }
0x48: {  	s30 =	sadd.s32 $0xD0, s23;
	[sflag:s12] =	ssyncadd.s32 $0xFFFFCE00  }
0x49: {  	[tilespmem:s15], [sflag:$0x1] =	stream.indirect.gather [hbm4b:s4+s14], $0x80, s30, s14, $0xb8;
	[tilespmem:$0x1F540] =	vst v63  }
0x4a: {  	_ =	swait.ge [sflag:s18], $0x3200  }
0x4b: {  	[sflag:s18] =	ssyncset.done $0x0  }
0x4c: {  	s31 =	sadd.s32 $0x2908, s23;
	[sflag:s18] =	ssyncadd.s32 $0xFFFFCE00  }
0x4d: {  	[spmem:s2] =	stream.indirect.scatter.add.f32 [tilespmem:s16], [sflag:$0x3], $0x80, s31, s14, $0xb8;
	[tilespmem:$0x1F540] =	vst v63  }
0x4e: {  	_ =	swait.ge [sflag:s12], $0x3200  }
0x4f: {  	[sflag:s12] =	ssyncset.done $0x0  }
0x50: {  	[sflag:s12] =	ssyncadd.s32 $0xFFFFCE00  }
0x51: {  	[tilespmem:s16], [sflag:$0x2] =	stream.indirect.gather [hbm4b:s4+s14], $0x80, s19, s14, $0xb8;
	[tilespmem:$0x1F540] =	vst v63  }
0x52: {  	_ =	swait.ge [sflag:s17], $0x3200  }
0x53: {  	[sflag:s17] =	ssyncset.done $0x0  }
0x54: {  	[sflag:s17] =	ssyncadd.s32 $0xFFFFCE00  }
0x55: {  	[spmem:s2] =	stream.indirect.scatter.add.f32 [tilespmem:s15], [sflag:$0x3], $0x80, s20, s14, $0xb8;
	[tilespmem:$0x1F540] =	vst v63  }
0x56: {  	_ =	swait.ge [sflag:s12], $0x3200  }
0x57: {  	[sflag:s12] =	ssyncset.done $0x0  }
0x58: {  	[sflag:s12] =	ssyncadd.s32 $0xFFFFCE00  }
0x59: {  	_ =	swait.ge [sflag:s18], $0x3200  }
0x5a: {  	[sflag:s18] =	ssyncset.done $0x0  }
0x5b: {  	[sflag:s18] =	ssyncadd.s32 $0xFFFFCE00  }
0x5c: {  	[spmem:s2] =	stream.indirect.scatter.add.f32 [tilespmem:s16], [sflag:$0x3], $0x80, s21, s14, $0xb8;
	[tilespmem:$0x1F540] =	vst v63  }
0x5d: {  	_ =	swait.ge [sflag:s12], $0x3200  }
0x5e: {  	s22 =	sadd.s32 $0x1, s22;
	[sflag:s12] =	ssyncset.done $0x0  }
0x5f: {  	p0 =	sne.s32 s22, s10;
	[sflag:s12] =	ssyncadd.s32 $0xFFFFCE00  }
.Ltmp1:
0x60: {  	[bflag:$0x0] =	sbarrier.arrive $0xFFFF;
	(pc) =	sbr.rel @p0 .LBB2_1-.Ltmp1, $4  }
0x61: {  	[hbm:s9], [sflag:s6] =	dma.local [spmem:s11], $0x2800  }
0x62: {  	_ =	swait.ge [sflag:s12], $0x2800  }
0x63: {  	[sflag:s12] =	ssyncset.done $0x0  }
0x64: {  	[sflag:s12] =	ssyncadd.s32 $0xFFFFD800  }
0x65: {  	_ =	sfence.sel $0x180000  }
0x66: {  	[bflag:$0x0] =	sbarrier.arrive $0xFFFF  }
0x67: {  	p0 =	sne.s32 s1, $0x0;
	_ =	strace $0x9000004A  }
0x68: {  	s0 =	sadd.s32 @!p0 $0x100000, s0;
	[bflag:$0x2] =	sbarrier.arrive $0xFFFF  }
0x69: {  	[sflag:s0] =	ssyncadd.tile.s32 @!p0 $0x1;
	_ =	shalt  }
.Lfunc_end2:
_tile_overlayer_lowered:
.L_overlay_start_2:
0x6a: {  	(tag) =	ssettag $0x2  }
0x6b: {  	s0 =	rddreg [dreg:$0x0];
	s2 =	stileid.u32  }
0x6c: {  	s1 =	rddreg [dreg:$0x1];
	p0 =	sne.s32 s2, $0x0  }
0x6d: {  	s3 =	rddreg [dreg:$0x2];
	[bflag:$0x3] =	sbarrier.arrive $0xFFFF;
	s2 =	simm.s32 @!p0 $0x1C03  }
0x6e: {  	[timem:s3], [sflag:s2] =	dma.local @!p0 [hbm:s0], s1  }
0x6f: {  	s0 =	simm.s32 @!p0 $0x3  }
0x70: {  	_ =	swait.ge @!p0 [sflag:s0], s1  }
0x71: {  	s1 =	ssub.s32 @!p0 $0x0, s1;
	[sflag:s0] =	ssyncset.done @!p0 $0x0  }
0x72: {  	[sflag:s0] =	ssyncadd.s32 @!p0 s1  }
0x73: {  	[bflag:$0x3] =	sbarrier.arrive $0xFFFF  }
0x74: {  	_ =	shalt  }

</sc_bundles>
